<compile_context>
chip_gen: v7x
topology: tpu7x:2x2x1
jax: 0.10.2.dev20260603
libtpu: 0.0.44.dev20260713+nightly
codegen_flags: <defaults>
</compile_context>

<pallas_src>
import functools

import jax
import jax.numpy as jnp
from jax import lax
from jax.experimental import pallas as pl
from jax.experimental.pallas import tpu as pltpu
from jax.experimental.pallas import tpu_sc as plsc

NUM_CODES = 1024
DIM = 64
COMMIT_COST = 0.25
BATCHES_PER_STEP = 2
IDX_TILE = 8

NW = 32
SC_CH = 128


def _argmin_block(z_ref, w_ref, idx_ref, idxf_ref):
    w = w_ref[...]
    wsq = jnp.sum(w * w, axis=1)
    ones_b = jnp.ones((DIM, 128), jnp.float32)
    G = NUM_CODES // 128
    T = z_ref.shape[1]
    idxs = []
    for b in range(BATCHES_PER_STEP):
        z = z_ref[b]
        zw2 = jax.lax.dot_general(
            z * (-2.0), w, (((1,), (1,)), ((), ())),
            precision=jax.lax.Precision.DEFAULT,
        )
        zsqb = jax.lax.dot_general(
            z * z, ones_b, (((1,), (0,)), ((), ())),
            precision=jax.lax.Precision.DEFAULT,
        )
        pm = zsqb + zw2[:, 0:128] + wsq[None, 0:128]
        gidx = jnp.zeros(pm.shape, jnp.int32)
        for g in range(1, G):
            dg = zsqb + zw2[:, g * 128:(g + 1) * 128] + wsq[None, g * 128:(g + 1) * 128]
            mask = dg < pm
            pm = jnp.where(mask, dg, pm)
            gidx = jnp.where(mask, g, gidx)
        m = jnp.min(pm, axis=1, keepdims=True)
        lane = jax.lax.broadcasted_iota(jnp.int32, pm.shape, 1)
        ci = jnp.where(pm == m, gidx * 128 + lane, NUM_CODES)
        idx = jnp.min(ci, axis=1)
        row = pl.program_id(0) % (IDX_TILE // BATCHES_PER_STEP)
        idx_ref[row * BATCHES_PER_STEP + b, :] = idx
        idxs.append(idx)
    idxf_ref[pl.ds(pl.program_id(0) * (BATCHES_PER_STEP * T), BATCHES_PER_STEP * T)] = (
        jnp.concatenate(idxs)
    )


def _sc_gather_body(table_hbm, idx_hbm, out_hbm, idx_v, rows_v, sem):
    wid = lax.axis_index("s") * 2 + lax.axis_index("c")
    npw = out_hbm.shape[0] // NW
    n_chunks = npw // SC_CH
    base = wid * npw
    pltpu.sync_copy(idx_hbm.at[pl.ds(base, npw)], idx_v)
    handles = [None] * n_chunks
    handles[0] = pltpu.async_copy(
        table_hbm.at[idx_v.at[pl.ds(0, SC_CH)]], rows_v.at[0], sem)
    for c in range(n_chunks):
        if c + 1 < n_chunks:
            handles[c + 1] = pltpu.async_copy(
                table_hbm.at[idx_v.at[pl.ds((c + 1) * SC_CH, SC_CH)]],
                rows_v.at[(c + 1) % 2], sem)
        handles[c].wait()
        pltpu.sync_copy(rows_v.at[c % 2],
                        out_hbm.at[pl.ds(base + c * SC_CH, SC_CH), :])


def _st_block(z_ref, zqp_ref, zq_ref, part_ref):
    total = jnp.zeros((), jnp.float32)
    for b in range(BATCHES_PER_STEP):
        z = z_ref[b]
        zq = zqp_ref[b][:, 0:DIM]
        zq_ref[b] = z + (zq - z)
        total = total + jnp.sum((zq - z) ** 2)
    part_ref[...] = jnp.full((128,), total, jnp.float32)


def _argmin_stage(zh, codebook):
    Bh, T, D = zh.shape
    nh = Bh * T
    nsteps = Bh // BATCHES_PER_STEP
    return pl.pallas_call(
        _argmin_block,
        grid=(nsteps,),
        in_specs=[
            pl.BlockSpec((BATCHES_PER_STEP, T, D), lambda i: (i, 0, 0)),
            pl.BlockSpec((NUM_CODES, D), lambda i: (0, 0)),
        ],
        out_specs=[
            pl.BlockSpec(
                (IDX_TILE, T),
                lambda i: (i // (IDX_TILE // BATCHES_PER_STEP), 0),
            ),
            pl.BlockSpec((nh,), lambda i: (0,)),
        ],
        out_shape=[
            jax.ShapeDtypeStruct((Bh, T), jnp.int32),
            jax.ShapeDtypeStruct((nh,), jnp.int32),
        ],
        compiler_params=pltpu.CompilerParams(
            dimension_semantics=("arbitrary",),
        ),
    )(zh, codebook)


def _st_stage(zh, zq_pad):
    Bh, T, D = zh.shape
    nsteps = Bh // BATCHES_PER_STEP
    return pl.pallas_call(
        _st_block,
        grid=(nsteps,),
        in_specs=[
            pl.BlockSpec((BATCHES_PER_STEP, T, D), lambda i: (i, 0, 0)),
            pl.BlockSpec((BATCHES_PER_STEP, T, 128), lambda i: (i, 0, 0)),
        ],
        out_specs=[
            pl.BlockSpec((BATCHES_PER_STEP, T, D), lambda i: (i, 0, 0)),
            pl.BlockSpec((128,), lambda i: (i,)),
        ],
        out_shape=[
            jax.ShapeDtypeStruct((Bh, T, D), jnp.float32),
            jax.ShapeDtypeStruct((nsteps * 128,), jnp.float32),
        ],
        compiler_params=pltpu.CompilerParams(
            dimension_semantics=("arbitrary",),
        ),
    )(zh, zq_pad.reshape(Bh, T, 128))


def kernel(z, codebook):
    B, T, D = z.shape
    n = B * T
    table_pad = jnp.pad(codebook, ((0, 0), (0, 128 - DIM)))
    mesh = plsc.VectorSubcoreMesh(core_axis_name="c", subcore_axis_name="s")

    idx, idx_flat = _argmin_stage(z, codebook)

    sc_gather = functools.partial(
        pl.kernel,
        mesh=mesh,
        out_type=jax.ShapeDtypeStruct((n, 128), jnp.float32),
        scratch_types=[
            pltpu.VMEM((n // NW,), jnp.int32),
            pltpu.VMEM((2, SC_CH, 128), jnp.float32),
            pltpu.SemaphoreType.DMA,
        ],
    )(_sc_gather_body)
    zq_pad = sc_gather(table_pad, idx_flat)

    zq_st, parts = _st_stage(z, zq_pad)
    loss = (1.0 + COMMIT_COST) * jnp.sum(parts) / (128.0 * n * D)
    return (zq_st, loss, idx)

# --- scband reference (transcript-rebuilt; emitter-appended) ---
"""Pipeline reference for scband-vector-quantizer-89867895701864 (READ-ONLY COPY).

The authoritative reference and input builder live on the scoring server;
editing this copy changes nothing except your own understanding.
"""

import jax, jax.numpy as jnp
import numpy as np

NUM_EMBEDDINGS = 1024
EMBEDDING_DIM = 64
COMMITMENT_COST = 0.25


def setup_inputs(seed: int = 0) -> dict:
    key = jax.random.key(seed)
    kz, kc = jax.random.split(key)
    z = jax.random.normal(kz, (64, 576, 64), dtype=jnp.float32)
    bound = 1.0 / NUM_EMBEDDINGS
    codebook = jax.random.uniform(kc, (NUM_EMBEDDINGS, EMBEDDING_DIM), dtype=jnp.float32, minval=-bound, maxval=bound)
    return {"z": z, "codebook": codebook}


def reference(z, codebook):
    B, T, D = z.shape
    z_flat = z.reshape(-1, D)
    # squared L2 distances: ||z||^2 - 2 z.W^T + ||W||^2
    distances = (
        jnp.sum(z_flat ** 2, axis=1, keepdims=True)
        - 2.0 * z_flat @ codebook.T
        + jnp.sum(codebook ** 2, axis=1)
    )
    encoding_indices = jnp.argmin(distances, axis=1)
    z_q_flat = jnp.take(codebook, encoding_indices, axis=0)
    z_q = z_q_flat.reshape(B, T, D)
    sg = jax.lax.stop_gradient
    commitment_loss = (
        COMMITMENT_COST * jnp.mean((sg(z_q) - z) ** 2)
        + jnp.mean((z_q - sg(z)) ** 2)
    )
    z_q_st = z + sg(z_q - z)
    return (z_q_st, commitment_loss, encoding_indices.reshape(B, T))

if __name__ == "__main__":
    import jax
    _d = setup_inputs()
    print(jax.jit(kernel)(*tuple(_d.values())))

</pallas_src>

<mosaic_0001>
#map = affine_map<(d0, d1) -> (0, 0)>
#map1 = affine_map<(d0, d1) -> (0)>
module attributes {stable_mosaic.version = 14 : i64} {
  func.func @_sc_gather_body(%arg0: i32, %arg1: i32, %arg2: memref<1024x128xf32, #tpu.memory_space<hbm>>, %arg3: memref<36864xi32, #tpu.memory_space<hbm>>, %arg4: memref<36864x128xf32, #tpu.memory_space<hbm>>, %arg5: memref<1152xi32, #tpu.memory_space<vmem>>, %arg6: memref<2x128x128xf32, #tpu.memory_space<vmem>>, %arg7: memref<!tpu.dma_semaphore, #tpu.memory_space<semaphore_mem>>) attributes {dimension_semantics = [#tpu.dimension_semantics<core_parallel>, #tpu.dimension_semantics<subcore_parallel>], iteration_bounds = array<i64: 2, 16>, scalar_prefetch = 0 : i64, scratch_operands = 3 : i64, tpu.core_type = #tpu.core_type<sc_vector_subcore>, window_params = [{transform_indices = #map}, {transform_indices = #map1}, {transform_indices = #map}]} {
    %mul3A = arith.constant 2 : i32
    %mul3A_0 = arith.muli %arg1, %mul3A : i32
    %add3A = arith.addi %mul3A_0, %arg0 : i32
    %mul3A_1 = arith.constant 1152 : i32
    %mul3A_2 = arith.muli %add3A, %mul3A_1 : i32
    "tpu.region"() ({
      %run_scoped3A_207 = tpu.sem_alloc : memref<!tpu.dma_semaphore, #tpu.memory_space<semaphore_mem>>
      %dma_start3A_208 = tpu.memref_slice %arg3[%mul3A_2] : memref<36864xi32, #tpu.memory_space<hbm>> -> memref<1152xi32, #tpu.memory_space<hbm>>
      %dma_start3A_209 = tpu.memref_slice %arg3[%mul3A_2] : memref<36864xi32, #tpu.memory_space<hbm>> -> memref<1152xi32, #tpu.memory_space<hbm>>
      tpu.enqueue_dma source(%dma_start3A_209 : memref<1152xi32, #tpu.memory_space<hbm>>) target(%arg5 : memref<1152xi32, #tpu.memory_space<vmem>>) target_semaphore(%run_scoped3A_207 : memref<!tpu.dma_semaphore, #tpu.memory_space<semaphore_mem>>)
      %dma_wait3A_210 = tpu.memref_slice %arg3[%mul3A_2] : memref<36864xi32, #tpu.memory_space<hbm>> -> memref<1152xi32, #tpu.memory_space<hbm>>
      %dma_wait3A_211 = tpu.memref_slice %arg3[%mul3A_2] : memref<36864xi32, #tpu.memory_space<hbm>> -> memref<1152xi32, #tpu.memory_space<hbm>>
      tpu.wait_dma2 semaphore(%run_scoped3A_207 : memref<!tpu.dma_semaphore, #tpu.memory_space<semaphore_mem>>) src(%dma_wait3A_211 : memref<1152xi32, #tpu.memory_space<hbm>>) dst(%arg5 : memref<1152xi32, #tpu.memory_space<vmem>>)
      tpu.yield
    }) : () -> ()
    %dma_start3A = arith.constant 0 : i32
    %dma_start3A_3 = arith.constant 0 : i32
    %dma_start3A_4 = arith.constant 0 : i32
    %dma_start3A_5 = tpu.memref_slice %arg6[%dma_start3A, %dma_start3A_3, %dma_start3A_4] : memref<2x128x128xf32, #tpu.memory_space<vmem>> -> memref<1x128x128xf32, #tpu.memory_space<vmem>>
    %dma_start3A_6 = tpu.memref_squeeze %dma_start3A_5 : memref<1x128x128xf32, #tpu.memory_space<vmem>> -> memref<128x128xf32, #tpu.memory_space<vmem>>
    %dma_start3A_7 = arith.constant 0 : i32
    %dma_start3A_8 = tpu.memref_slice %arg5[%dma_start3A_7] : memref<1152xi32, #tpu.memory_space<vmem>> -> memref<128xi32, #tpu.memory_space<vmem>>
    %dma_start3A_9 = arith.constant 0 : i32
    %dma_start3A_10 = arith.constant 0 : i32
    %dma_start3A_11 = tpu.memref_slice %arg2[%dma_start3A_9, %dma_start3A_10] : memref<1024x128xf32, #tpu.memory_space<hbm>> -> memref<1024x128xf32, #tpu.memory_space<hbm>>
    tpu.enqueue_indirect_dma source(%dma_start3A_11 : memref<1024x128xf32, #tpu.memory_space<hbm>>) target(%dma_start3A_6 : memref<128x128xf32, #tpu.memory_space<vmem>>) offsets(%dma_start3A_8 : memref<128xi32, #tpu.memory_space<vmem>>) semaphore(%arg7 : memref<!tpu.dma_semaphore, #tpu.memory_space<semaphore_mem>>)
    %dma_start3A_12 = arith.constant 1 : i32
    %dma_start3A_13 = arith.constant 0 : i32
    %dma_start3A_14 = arith.constant 0 : i32
    %dma_start3A_15 = tpu.memref_slice %arg6[%dma_start3A_12, %dma_start3A_13, %dma_start3A_14] : memref<2x128x128xf32, #tpu.memory_space<vmem>> -> memref<1x128x128xf32, #tpu.memory_space<vmem>>
    %dma_start3A_16 = tpu.memref_squeeze %dma_start3A_15 : memref<1x128x128xf32, #tpu.memory_space<vmem>> -> memref<128x128xf32, #tpu.memory_space<vmem>>
    %dma_start3A_17 = arith.constant 128 : i32
    %dma_start3A_18 = tpu.memref_slice %arg5[%dma_start3A_17] : memref<1152xi32, #tpu.memory_space<vmem>> -> memref<128xi32, #tpu.memory_space<vmem>>
    %dma_start3A_19 = arith.constant 0 : i32
    %dma_start3A_20 = arith.constant 0 : i32
    %dma_start3A_21 = tpu.memref_slice %arg2[%dma_start3A_19, %dma_start3A_20] : memref<1024x128xf32, #tpu.memory_space<hbm>> -> memref<1024x128xf32, #tpu.memory_space<hbm>>
    tpu.enqueue_indirect_dma source(%dma_start3A_21 : memref<1024x128xf32, #tpu.memory_space<hbm>>) target(%dma_start3A_16 : memref<128x128xf32, #tpu.memory_space<vmem>>) offsets(%dma_start3A_18 : memref<128xi32, #tpu.memory_space<vmem>>) semaphore(%arg7 : memref<!tpu.dma_semaphore, #tpu.memory_space<semaphore_mem>>)
    %dma_wait3A = arith.constant 0 : i32
    %dma_wait3A_22 = arith.constant 0 : i32
    %dma_wait3A_23 = arith.constant 0 : i32
    %dma_wait3A_24 = tpu.memref_slice %arg6[%dma_wait3A, %dma_wait3A_22, %dma_wait3A_23] : memref<2x128x128xf32, #tpu.memory_space<vmem>> -> memref<1x128x128xf32, #tpu.memory_space<vmem>>
    %dma_wait3A_25 = tpu.memref_squeeze %dma_wait3A_24 : memref<1x128x128xf32, #tpu.memory_space<vmem>> -> memref<128x128xf32, #tpu.memory_space<vmem>>
    %dma_wait3A_26 = arith.constant 0 : i32
    %dma_wait3A_27 = tpu.memref_slice %arg5[%dma_wait3A_26] : memref<1152xi32, #tpu.memory_space<vmem>> -> memref<128xi32, #tpu.memory_space<vmem>>
    %dma_wait3A_28 = arith.constant 0 : i32
    %dma_wait3A_29 = arith.constant 0 : i32
    %dma_wait3A_30 = tpu.memref_slice %arg2[%dma_wait3A_28, %dma_wait3A_29] : memref<1024x128xf32, #tpu.memory_space<hbm>> -> memref<1024x128xf32, #tpu.memory_space<hbm>>
    tpu.wait_indirect_dma semaphore(%arg7 : memref<!tpu.dma_semaphore, #tpu.memory_space<semaphore_mem>>) src(%dma_wait3A_30 : memref<1024x128xf32, #tpu.memory_space<hbm>>) dst(%dma_wait3A_25 : memref<128x128xf32, #tpu.memory_space<vmem>>)
    %add3A_31 = arith.constant 0 : i32
    %add3A_32 = arith.addi %mul3A_2, %add3A_31 : i32
    %run_scoped3A = arith.constant 0 : i32
    "tpu.region"() ({
      %run_scoped3A_207 = tpu.sem_alloc : memref<!tpu.dma_semaphore, #tpu.memory_space<semaphore_mem>>
      %dma_start3A_208 = arith.constant 0 : i32
      %dma_start3A_209 = arith.constant 0 : i32
      %dma_start3A_210 = tpu.memref_slice %arg6[%run_scoped3A, %dma_start3A_208, %dma_start3A_209] : memref<2x128x128xf32, #tpu.memory_space<vmem>> -> memref<1x128x128xf32, #tpu.memory_space<vmem>>
      %dma_start3A_211 = tpu.memref_squeeze %dma_start3A_210 : memref<1x128x128xf32, #tpu.memory_space<vmem>> -> memref<128x128xf32, #tpu.memory_space<vmem>>
      %dma_start3A_212 = arith.constant 0 : i32
      %dma_start3A_213 = tpu.memref_slice %arg4[%add3A_32, %dma_start3A_212] : memref<36864x128xf32, #tpu.memory_space<hbm>> -> memref<128x128xf32, #tpu.memory_space<hbm>>
      %dma_start3A_214 = arith.constant 0 : i32
      %dma_start3A_215 = tpu.memref_slice %arg4[%add3A_32, %dma_start3A_214] : memref<36864x128xf32, #tpu.memory_space<hbm>> -> memref<128x128xf32, #tpu.memory_space<hbm>>
      %dma_start3A_216 = arith.constant 0 : i32
      %dma_start3A_217 = arith.constant 0 : i32
      %dma_start3A_218 = tpu.memref_slice %arg6[%run_scoped3A, %dma_start3A_216, %dma_start3A_217] : memref<2x128x128xf32, #tpu.memory_space<vmem>> -> memref<1x128x128xf32, #tpu.memory_space<vmem>>
      %dma_start3A_219 = tpu.memref_squeeze %dma_start3A_218 : memref<1x128x128xf32, #tpu.memory_space<vmem>> -> memref<128x128xf32, #tpu.memory_space<vmem>>
      tpu.enqueue_dma source(%dma_start3A_219 : memref<128x128xf32, #tpu.memory_space<vmem>>) target(%dma_start3A_215 : memref<128x128xf32, #tpu.memory_space<hbm>>) target_semaphore(%run_scoped3A_207 : memref<!tpu.dma_semaphore, #tpu.memory_space<semaphore_mem>>)
      %dma_wait3A_220 = arith.constant 0 : i32
      %dma_wait3A_221 = arith.constant 0 : i32
      %dma_wait3A_222 = tpu.memref_slice %arg6[%run_scoped3A, %dma_wait3A_220, %dma_wait3A_221] : memref<2x128x128xf32, #tpu.memory_space<vmem>> -> memref<1x128x128xf32, #tpu.memory_space<vmem>>
      %dma_wait3A_223 = tpu.memref_squeeze %dma_wait3A_222 : memref<1x128x128xf32, #tpu.memory_space<vmem>> -> memref<128x128xf32, #tpu.memory_space<vmem>>
      %dma_wait3A_224 = arith.constant 0 : i32
      %dma_wait3A_225 = tpu.memref_slice %arg4[%add3A_32, %dma_wait3A_224] : memref<36864x128xf32, #tpu.memory_space<hbm>> -> memref<128x128xf32, #tpu.memory_space<hbm>>
      %dma_wait3A_226 = arith.constant 0 : i32
      %dma_wait3A_227 = tpu.memref_slice %arg4[%add3A_32, %dma_wait3A_226] : memref<36864x128xf32, #tpu.memory_space<hbm>> -> memref<128x128xf32, #tpu.memory_space<hbm>>
      %dma_wait3A_228 = arith.constant 0 : i32
      %dma_wait3A_229 = arith.constant 0 : i32
      %dma_wait3A_230 = tpu.memref_slice %arg6[%run_scoped3A, %dma_wait3A_228, %dma_wait3A_229] : memref<2x128x128xf32, #tpu.memory_space<vmem>> -> memref<1x128x128xf32, #tpu.memory_space<vmem>>
      %dma_wait3A_231 = tpu.memref_squeeze %dma_wait3A_230 : memref<1x128x128xf32, #tpu.memory_space<vmem>> -> memref<128x128xf32, #tpu.memory_space<vmem>>
      tpu.wait_dma2 semaphore(%run_scoped3A_207 : memref<!tpu.dma_semaphore, #tpu.memory_space<semaphore_mem>>) src(%dma_wait3A_231 : memref<128x128xf32, #tpu.memory_space<vmem>>) dst(%dma_wait3A_227 : memref<128x128xf32, #tpu.memory_space<hbm>>)
      tpu.yield
    }) : () -> ()
    %dma_start3A_33 = arith.constant 0 : i32
    %dma_start3A_34 = arith.constant 0 : i32
    %dma_start3A_35 = arith.constant 0 : i32
    %dma_start3A_36 = tpu.memref_slice %arg6[%dma_start3A_33, %dma_start3A_34, %dma_start3A_35] : memref<2x128x128xf32, #tpu.memory_space<vmem>> -> memref<1x128x128xf32, #tpu.memory_space<vmem>>
    %dma_start3A_37 = tpu.memref_squeeze %dma_start3A_36 : memref<1x128x128xf32, #tpu.memory_space<vmem>> -> memref<128x128xf32, #tpu.memory_space<vmem>>
    %dma_start3A_38 = arith.constant 256 : i32
    %dma_start3A_39 = tpu.memref_slice %arg5[%dma_start3A_38] : memref<1152xi32, #tpu.memory_space<vmem>> -> memref<128xi32, #tpu.memory_space<vmem>>
    %dma_start3A_40 = arith.constant 0 : i32
    %dma_start3A_41 = arith.constant 0 : i32
    %dma_start3A_42 = tpu.memref_slice %arg2[%dma_start3A_40, %dma_start3A_41] : memref<1024x128xf32, #tpu.memory_space<hbm>> -> memref<1024x128xf32, #tpu.memory_space<hbm>>
    tpu.enqueue_indirect_dma source(%dma_start3A_42 : memref<1024x128xf32, #tpu.memory_space<hbm>>) target(%dma_start3A_37 : memref<128x128xf32, #tpu.memory_space<vmem>>) offsets(%dma_start3A_39 : memref<128xi32, #tpu.memory_space<vmem>>) semaphore(%arg7 : memref<!tpu.dma_semaphore, #tpu.memory_space<semaphore_mem>>)
    %dma_wait3A_43 = arith.constant 1 : i32
    %dma_wait3A_44 = arith.constant 0 : i32
    %dma_wait3A_45 = arith.constant 0 : i32
    %dma_wait3A_46 = tpu.memref_slice %arg6[%dma_wait3A_43, %dma_wait3A_44, %dma_wait3A_45] : memref<2x128x128xf32, #tpu.memory_space<vmem>> -> memref<1x128x128xf32, #tpu.memory_space<vmem>>
    %dma_wait3A_47 = tpu.memref_squeeze %dma_wait3A_46 : memref<1x128x128xf32, #tpu.memory_space<vmem>> -> memref<128x128xf32, #tpu.memory_space<vmem>>
    %dma_wait3A_48 = arith.constant 128 : i32
    %dma_wait3A_49 = tpu.memref_slice %arg5[%dma_wait3A_48] : memref<1152xi32, #tpu.memory_space<vmem>> -> memref<128xi32, #tpu.memory_space<vmem>>
    %dma_wait3A_50 = arith.constant 0 : i32
    %dma_wait3A_51 = arith.constant 0 : i32
    %dma_wait3A_52 = tpu.memref_slice %arg2[%dma_wait3A_50, %dma_wait3A_51] : memref<1024x128xf32, #tpu.memory_space<hbm>> -> memref<1024x128xf32, #tpu.memory_space<hbm>>
    tpu.wait_indirect_dma semaphore(%arg7 : memref<!tpu.dma_semaphore, #tpu.memory_space<semaphore_mem>>) src(%dma_wait3A_52 : memref<1024x128xf32, #tpu.memory_space<hbm>>) dst(%dma_wait3A_47 : memref<128x128xf32, #tpu.memory_space<vmem>>)
    %add3A_53 = arith.constant 128 : i32
    %add3A_54 = arith.addi %mul3A_2, %add3A_53 : i32
    %run_scoped3A_55 = arith.constant 1 : i32
    "tpu.region"() ({
      %run_scoped3A_207 = tpu.sem_alloc : memref<!tpu.dma_semaphore, #tpu.memory_space<semaphore_mem>>
      %dma_start3A_208 = arith.constant 0 : i32
      %dma_start3A_209 = arith.constant 0 : i32
      %dma_start3A_210 = tpu.memref_slice %arg6[%run_scoped3A_55, %dma_start3A_208, %dma_start3A_209] : memref<2x128x128xf32, #tpu.memory_space<vmem>> -> memref<1x128x128xf32, #tpu.memory_space<vmem>>
      %dma_start3A_211 = tpu.memref_squeeze %dma_start3A_210 : memref<1x128x128xf32, #tpu.memory_space<vmem>> -> memref<128x128xf32, #tpu.memory_space<vmem>>
      %dma_start3A_212 = arith.constant 0 : i32
      %dma_start3A_213 = tpu.memref_slice %arg4[%add3A_54, %dma_start3A_212] : memref<36864x128xf32, #tpu.memory_space<hbm>> -> memref<128x128xf32, #tpu.memory_space<hbm>>
      %dma_start3A_214 = arith.constant 0 : i32
      %dma_start3A_215 = tpu.memref_slice %arg4[%add3A_54, %dma_start3A_214] : memref<36864x128xf32, #tpu.memory_space<hbm>> -> memref<128x128xf32, #tpu.memory_space<hbm>>
      %dma_start3A_216 = arith.constant 0 : i32
      %dma_start3A_217 = arith.constant 0 : i32
      %dma_start3A_218 = tpu.memref_slice %arg6[%run_scoped3A_55, %dma_start3A_216, %dma_start3A_217] : memref<2x128x128xf32, #tpu.memory_space<vmem>> -> memref<1x128x128xf32, #tpu.memory_space<vmem>>
      %dma_start3A_219 = tpu.memref_squeeze %dma_start3A_218 : memref<1x128x128xf32, #tpu.memory_space<vmem>> -> memref<128x128xf32, #tpu.memory_space<vmem>>
      tpu.enqueue_dma source(%dma_start3A_219 : memref<128x128xf32, #tpu.memory_space<vmem>>) target(%dma_start3A_215 : memref<128x128xf32, #tpu.memory_space<hbm>>) target_semaphore(%run_scoped3A_207 : memref<!tpu.dma_semaphore, #tpu.memory_space<semaphore_mem>>)
      %dma_wait3A_220 = arith.constant 0 : i32
      %dma_wait3A_221 = arith.constant 0 : i32
      %dma_wait3A_222 = tpu.memref_slice %arg6[%run_scoped3A_55, %dma_wait3A_220, %dma_wait3A_221] : memref<2x128x128xf32, #tpu.memory_space<vmem>> -> memref<1x128x128xf32, #tpu.memory_space<vmem>>
      %dma_wait3A_223 = tpu.memref_squeeze %dma_wait3A_222 : memref<1x128x128xf32, #tpu.memory_space<vmem>> -> memref<128x128xf32, #tpu.memory_space<vmem>>
      %dma_wait3A_224 = arith.constant 0 : i32
      %dma_wait3A_225 = tpu.memref_slice %arg4[%add3A_54, %dma_wait3A_224] : memref<36864x128xf32, #tpu.memory_space<hbm>> -> memref<128x128xf32, #tpu.memory_space<hbm>>
      %dma_wait3A_226 = arith.constant 0 : i32
      %dma_wait3A_227 = tpu.memref_slice %arg4[%add3A_54, %dma_wait3A_226] : memref<36864x128xf32, #tpu.memory_space<hbm>> -> memref<128x128xf32, #tpu.memory_space<hbm>>
      %dma_wait3A_228 = arith.constant 0 : i32
      %dma_wait3A_229 = arith.constant 0 : i32
      %dma_wait3A_230 = tpu.memref_slice %arg6[%run_scoped3A_55, %dma_wait3A_228, %dma_wait3A_229] : memref<2x128x128xf32, #tpu.memory_space<vmem>> -> memref<1x128x128xf32, #tpu.memory_space<vmem>>
      %dma_wait3A_231 = tpu.memref_squeeze %dma_wait3A_230 : memref<1x128x128xf32, #tpu.memory_space<vmem>> -> memref<128x128xf32, #tpu.memory_space<vmem>>
      tpu.wait_dma2 semaphore(%run_scoped3A_207 : memref<!tpu.dma_semaphore, #tpu.memory_space<semaphore_mem>>) src(%dma_wait3A_231 : memref<128x128xf32, #tpu.memory_space<vmem>>) dst(%dma_wait3A_227 : memref<128x128xf32, #tpu.memory_space<hbm>>)
      tpu.yield
    }) : () -> ()
    %dma_start3A_56 = arith.constant 1 : i32
    %dma_start3A_57 = arith.constant 0 : i32
    %dma_start3A_58 = arith.constant 0 : i32
    %dma_start3A_59 = tpu.memref_slice %arg6[%dma_start3A_56, %dma_start3A_57, %dma_start3A_58] : memref<2x128x128xf32, #tpu.memory_space<vmem>> -> memref<1x128x128xf32, #tpu.memory_space<vmem>>
    %dma_start3A_60 = tpu.memref_squeeze %dma_start3A_59 : memref<1x128x128xf32, #tpu.memory_space<vmem>> -> memref<128x128xf32, #tpu.memory_space<vmem>>
    %dma_start3A_61 = arith.constant 384 : i32
    %dma_start3A_62 = tpu.memref_slice %arg5[%dma_start3A_61] : memref<1152xi32, #tpu.memory_space<vmem>> -> memref<128xi32, #tpu.memory_space<vmem>>
    %dma_start3A_63 = arith.constant 0 : i32
    %dma_start3A_64 = arith.constant 0 : i32
    %dma_start3A_65 = tpu.memref_slice %arg2[%dma_start3A_63, %dma_start3A_64] : memref<1024x128xf32, #tpu.memory_space<hbm>> -> memref<1024x128xf32, #tpu.memory_space<hbm>>
    tpu.enqueue_indirect_dma source(%dma_start3A_65 : memref<1024x128xf32, #tpu.memory_space<hbm>>) target(%dma_start3A_60 : memref<128x128xf32, #tpu.memory_space<vmem>>) offsets(%dma_start3A_62 : memref<128xi32, #tpu.memory_space<vmem>>) semaphore(%arg7 : memref<!tpu.dma_semaphore, #tpu.memory_space<semaphore_mem>>)
    %dma_wait3A_66 = arith.constant 0 : i32
    %dma_wait3A_67 = arith.constant 0 : i32
    %dma_wait3A_68 = arith.constant 0 : i32
    %dma_wait3A_69 = tpu.memref_slice %arg6[%dma_wait3A_66, %dma_wait3A_67, %dma_wait3A_68] : memref<2x128x128xf32, #tpu.memory_space<vmem>> -> memref<1x128x128xf32, #tpu.memory_space<vmem>>
    %dma_wait3A_70 = tpu.memref_squeeze %dma_wait3A_69 : memref<1x128x128xf32, #tpu.memory_space<vmem>> -> memref<128x128xf32, #tpu.memory_space<vmem>>
    %dma_wait3A_71 = arith.constant 256 : i32
    %dma_wait3A_72 = tpu.memref_slice %arg5[%dma_wait3A_71] : memref<1152xi32, #tpu.memory_space<vmem>> -> memref<128xi32, #tpu.memory_space<vmem>>
    %dma_wait3A_73 = arith.constant 0 : i32
    %dma_wait3A_74 = arith.constant 0 : i32
    %dma_wait3A_75 = tpu.memref_slice %arg2[%dma_wait3A_73, %dma_wait3A_74] : memref<1024x128xf32, #tpu.memory_space<hbm>> -> memref<1024x128xf32, #tpu.memory_space<hbm>>
    tpu.wait_indirect_dma semaphore(%arg7 : memref<!tpu.dma_semaphore, #tpu.memory_space<semaphore_mem>>) src(%dma_wait3A_75 : memref<1024x128xf32, #tpu.memory_space<hbm>>) dst(%dma_wait3A_70 : memref<128x128xf32, #tpu.memory_space<vmem>>)
    %add3A_76 = arith.constant 256 : i32
    %add3A_77 = arith.addi %mul3A_2, %add3A_76 : i32
    %run_scoped3A_78 = arith.constant 0 : i32
    "tpu.region"() ({
      %run_scoped3A_207 = tpu.sem_alloc : memref<!tpu.dma_semaphore, #tpu.memory_space<semaphore_mem>>
      %dma_start3A_208 = arith.constant 0 : i32
      %dma_start3A_209 = arith.constant 0 : i32
      %dma_start3A_210 = tpu.memref_slice %arg6[%run_scoped3A_78, %dma_start3A_208, %dma_start3A_209] : memref<2x128x128xf32, #tpu.memory_space<vmem>> -> memref<1x128x128xf32, #tpu.memory_space<vmem>>
      %dma_start3A_211 = tpu.memref_squeeze %dma_start3A_210 : memref<1x128x128xf32, #tpu.memory_space<vmem>> -> memref<128x128xf32, #tpu.memory_space<vmem>>
      %dma_start3A_212 = arith.constant 0 : i32
      %dma_start3A_213 = tpu.memref_slice %arg4[%add3A_77, %dma_start3A_212] : memref<36864x128xf32, #tpu.memory_space<hbm>> -> memref<128x128xf32, #tpu.memory_space<hbm>>
      %dma_start3A_214 = arith.constant 0 : i32
      %dma_start3A_215 = tpu.memref_slice %arg4[%add3A_77, %dma_start3A_214] : memref<36864x128xf32, #tpu.memory_space<hbm>> -> memref<128x128xf32, #tpu.memory_space<hbm>>
      %dma_start3A_216 = arith.constant 0 : i32
      %dma_start3A_217 = arith.constant 0 : i32
      %dma_start3A_218 = tpu.memref_slice %arg6[%run_scoped3A_78, %dma_start3A_216, %dma_start3A_217] : memref<2x128x128xf32, #tpu.memory_space<vmem>> -> memref<1x128x128xf32, #tpu.memory_space<vmem>>
      %dma_start3A_219 = tpu.memref_squeeze %dma_start3A_218 : memref<1x128x128xf32, #tpu.memory_space<vmem>> -> memref<128x128xf32, #tpu.memory_space<vmem>>
      tpu.enqueue_dma source(%dma_start3A_219 : memref<128x128xf32, #tpu.memory_space<vmem>>) target(%dma_start3A_215 : memref<128x128xf32, #tpu.memory_space<hbm>>) target_semaphore(%run_scoped3A_207 : memref<!tpu.dma_semaphore, #tpu.memory_space<semaphore_mem>>)
      %dma_wait3A_220 = arith.constant 0 : i32
      %dma_wait3A_221 = arith.constant 0 : i32
      %dma_wait3A_222 = tpu.memref_slice %arg6[%run_scoped3A_78, %dma_wait3A_220, %dma_wait3A_221] : memref<2x128x128xf32, #tpu.memory_space<vmem>> -> memref<1x128x128xf32, #tpu.memory_space<vmem>>
      %dma_wait3A_223 = tpu.memref_squeeze %dma_wait3A_222 : memref<1x128x128xf32, #tpu.memory_space<vmem>> -> memref<128x128xf32, #tpu.memory_space<vmem>>
      %dma_wait3A_224 = arith.constant 0 : i32
      %dma_wait3A_225 = tpu.memref_slice %arg4[%add3A_77, %dma_wait3A_224] : memref<36864x128xf32, #tpu.memory_space<hbm>> -> memref<128x128xf32, #tpu.memory_space<hbm>>
      %dma_wait3A_226 = arith.constant 0 : i32
      %dma_wait3A_227 = tpu.memref_slice %arg4[%add3A_77, %dma_wait3A_226] : memref<36864x128xf32, #tpu.memory_space<hbm>> -> memref<128x128xf32, #tpu.memory_space<hbm>>
      %dma_wait3A_228 = arith.constant 0 : i32
      %dma_wait3A_229 = arith.constant 0 : i32
      %dma_wait3A_230 = tpu.memref_slice %arg6[%run_scoped3A_78, %dma_wait3A_228, %dma_wait3A_229] : memref<2x128x128xf32, #tpu.memory_space<vmem>> -> memref<1x128x128xf32, #tpu.memory_space<vmem>>
      %dma_wait3A_231 = tpu.memref_squeeze %dma_wait3A_230 : memref<1x128x128xf32, #tpu.memory_space<vmem>> -> memref<128x128xf32, #tpu.memory_space<vmem>>
      tpu.wait_dma2 semaphore(%run_scoped3A_207 : memref<!tpu.dma_semaphore, #tpu.memory_space<semaphore_mem>>) src(%dma_wait3A_231 : memref<128x128xf32, #tpu.memory_space<vmem>>) dst(%dma_wait3A_227 : memref<128x128xf32, #tpu.memory_space<hbm>>)
      tpu.yield
    }) : () -> ()
    %dma_start3A_79 = arith.constant 0 : i32
    %dma_start3A_80 = arith.constant 0 : i32
    %dma_start3A_81 = arith.constant 0 : i32
    %dma_start3A_82 = tpu.memref_slice %arg6[%dma_start3A_79, %dma_start3A_80, %dma_start3A_81] : memref<2x128x128xf32, #tpu.memory_space<vmem>> -> memref<1x128x128xf32, #tpu.memory_space<vmem>>
    %dma_start3A_83 = tpu.memref_squeeze %dma_start3A_82 : memref<1x128x128xf32, #tpu.memory_space<vmem>> -> memref<128x128xf32, #tpu.memory_space<vmem>>
    %dma_start3A_84 = arith.constant 512 : i32
    %dma_start3A_85 = tpu.memref_slice %arg5[%dma_start3A_84] : memref<1152xi32, #tpu.memory_space<vmem>> -> memref<128xi32, #tpu.memory_space<vmem>>
    %dma_start3A_86 = arith.constant 0 : i32
    %dma_start3A_87 = arith.constant 0 : i32
    %dma_start3A_88 = tpu.memref_slice %arg2[%dma_start3A_86, %dma_start3A_87] : memref<1024x128xf32, #tpu.memory_space<hbm>> -> memref<1024x128xf32, #tpu.memory_space<hbm>>
    tpu.enqueue_indirect_dma source(%dma_start3A_88 : memref<1024x128xf32, #tpu.memory_space<hbm>>) target(%dma_start3A_83 : memref<128x128xf32, #tpu.memory_space<vmem>>) offsets(%dma_start3A_85 : memref<128xi32, #tpu.memory_space<vmem>>) semaphore(%arg7 : memref<!tpu.dma_semaphore, #tpu.memory_space<semaphore_mem>>)
    %dma_wait3A_89 = arith.constant 1 : i32
    %dma_wait3A_90 = arith.constant 0 : i32
    %dma_wait3A_91 = arith.constant 0 : i32
    %dma_wait3A_92 = tpu.memref_slice %arg6[%dma_wait3A_89, %dma_wait3A_90, %dma_wait3A_91] : memref<2x128x128xf32, #tpu.memory_space<vmem>> -> memref<1x128x128xf32, #tpu.memory_space<vmem>>
    %dma_wait3A_93 = tpu.memref_squeeze %dma_wait3A_92 : memref<1x128x128xf32, #tpu.memory_space<vmem>> -> memref<128x128xf32, #tpu.memory_space<vmem>>
    %dma_wait3A_94 = arith.constant 384 : i32
    %dma_wait3A_95 = tpu.memref_slice %arg5[%dma_wait3A_94] : memref<1152xi32, #tpu.memory_space<vmem>> -> memref<128xi32, #tpu.memory_space<vmem>>
    %dma_wait3A_96 = arith.constant 0 : i32
    %dma_wait3A_97 = arith.constant 0 : i32
    %dma_wait3A_98 = tpu.memref_slice %arg2[%dma_wait3A_96, %dma_wait3A_97] : memref<1024x128xf32, #tpu.memory_space<hbm>> -> memref<1024x128xf32, #tpu.memory_space<hbm>>
    tpu.wait_indirect_dma semaphore(%arg7 : memref<!tpu.dma_semaphore, #tpu.memory_space<semaphore_mem>>) src(%dma_wait3A_98 : memref<1024x128xf32, #tpu.memory_space<hbm>>) dst(%dma_wait3A_93 : memref<128x128xf32, #tpu.memory_space<vmem>>)
    %add3A_99 = arith.constant 384 : i32
    %add3A_100 = arith.addi %mul3A_2, %add3A_99 : i32
    %run_scoped3A_101 = arith.constant 1 : i32
    "tpu.region"() ({
      %run_scoped3A_207 = tpu.sem_alloc : memref<!tpu.dma_semaphore, #tpu.memory_space<semaphore_mem>>
      %dma_start3A_208 = arith.constant 0 : i32
      %dma_start3A_209 = arith.constant 0 : i32
      %dma_start3A_210 = tpu.memref_slice %arg6[%run_scoped3A_101, %dma_start3A_208, %dma_start3A_209] : memref<2x128x128xf32, #tpu.memory_space<vmem>> -> memref<1x128x128xf32, #tpu.memory_space<vmem>>
      %dma_start3A_211 = tpu.memref_squeeze %dma_start3A_210 : memref<1x128x128xf32, #tpu.memory_space<vmem>> -> memref<128x128xf32, #tpu.memory_space<vmem>>
      %dma_start3A_212 = arith.constant 0 : i32
      %dma_start3A_213 = tpu.memref_slice %arg4[%add3A_100, %dma_start3A_212] : memref<36864x128xf32, #tpu.memory_space<hbm>> -> memref<128x128xf32, #tpu.memory_space<hbm>>
      %dma_start3A_214 = arith.constant 0 : i32
      %dma_start3A_215 = tpu.memref_slice %arg4[%add3A_100, %dma_start3A_214] : memref<36864x128xf32, #tpu.memory_space<hbm>> -> memref<128x128xf32, #tpu.memory_space<hbm>>
      %dma_start3A_216 = arith.constant 0 : i32
      %dma_start3A_217 = arith.constant 0 : i32
      %dma_start3A_218 = tpu.memref_slice %arg6[%run_scoped3A_101, %dma_start3A_216, %dma_start3A_217] : memref<2x128x128xf32, #tpu.memory_space<vmem>> -> memref<1x128x128xf32, #tpu.memory_space<vmem>>
      %dma_start3A_219 = tpu.memref_squeeze %dma_start3A_218 : memref<1x128x128xf32, #tpu.memory_space<vmem>> -> memref<128x128xf32, #tpu.memory_space<vmem>>
      tpu.enqueue_dma source(%dma_start3A_219 : memref<128x128xf32, #tpu.memory_space<vmem>>) target(%dma_start3A_215 : memref<128x128xf32, #tpu.memory_space<hbm>>) target_semaphore(%run_scoped3A_207 : memref<!tpu.dma_semaphore, #tpu.memory_space<semaphore_mem>>)
      %dma_wait3A_220 = arith.constant 0 : i32
      %dma_wait3A_221 = arith.constant 0 : i32
      %dma_wait3A_222 = tpu.memref_slice %arg6[%run_scoped3A_101, %dma_wait3A_220, %dma_wait3A_221] : memref<2x128x128xf32, #tpu.memory_space<vmem>> -> memref<1x128x128xf32, #tpu.memory_space<vmem>>
      %dma_wait3A_223 = tpu.memref_squeeze %dma_wait3A_222 : memref<1x128x128xf32, #tpu.memory_space<vmem>> -> memref<128x128xf32, #tpu.memory_space<vmem>>
      %dma_wait3A_224 = arith.constant 0 : i32
      %dma_wait3A_225 = tpu.memref_slice %arg4[%add3A_100, %dma_wait3A_224] : memref<36864x128xf32, #tpu.memory_space<hbm>> -> memref<128x128xf32, #tpu.memory_space<hbm>>
      %dma_wait3A_226 = arith.constant 0 : i32
      %dma_wait3A_227 = tpu.memref_slice %arg4[%add3A_100, %dma_wait3A_226] : memref<36864x128xf32, #tpu.memory_space<hbm>> -> memref<128x128xf32, #tpu.memory_space<hbm>>
      %dma_wait3A_228 = arith.constant 0 : i32
      %dma_wait3A_229 = arith.constant 0 : i32
      %dma_wait3A_230 = tpu.memref_slice %arg6[%run_scoped3A_101, %dma_wait3A_228, %dma_wait3A_229] : memref<2x128x128xf32, #tpu.memory_space<vmem>> -> memref<1x128x128xf32, #tpu.memory_space<vmem>>
      %dma_wait3A_231 = tpu.memref_squeeze %dma_wait3A_230 : memref<1x128x128xf32, #tpu.memory_space<vmem>> -> memref<128x128xf32, #tpu.memory_space<vmem>>
      tpu.wait_dma2 semaphore(%run_scoped3A_207 : memref<!tpu.dma_semaphore, #tpu.memory_space<semaphore_mem>>) src(%dma_wait3A_231 : memref<128x128xf32, #tpu.memory_space<vmem>>) dst(%dma_wait3A_227 : memref<128x128xf32, #tpu.memory_space<hbm>>)
      tpu.yield
    }) : () -> ()
    %dma_start3A_102 = arith.constant 1 : i32
    %dma_start3A_103 = arith.constant 0 : i32
    %dma_start3A_104 = arith.constant 0 : i32
    %dma_start3A_105 = tpu.memref_slice %arg6[%dma_start3A_102, %dma_start3A_103, %dma_start3A_104] : memref<2x128x128xf32, #tpu.memory_space<vmem>> -> memref<1x128x128xf32, #tpu.memory_space<vmem>>
    %dma_start3A_106 = tpu.memref_squeeze %dma_start3A_105 : memref<1x128x128xf32, #tpu.memory_space<vmem>> -> memref<128x128xf32, #tpu.memory_space<vmem>>
    %dma_start3A_107 = arith.constant 640 : i32
    %dma_start3A_108 = tpu.memref_slice %arg5[%dma_start3A_107] : memref<1152xi32, #tpu.memory_space<vmem>> -> memref<128xi32, #tpu.memory_space<vmem>>
    %dma_start3A_109 = arith.constant 0 : i32
    %dma_start3A_110 = arith.constant 0 : i32
    %dma_start3A_111 = tpu.memref_slice %arg2[%dma_start3A_109, %dma_start3A_110] : memref<1024x128xf32, #tpu.memory_space<hbm>> -> memref<1024x128xf32, #tpu.memory_space<hbm>>
    tpu.enqueue_indirect_dma source(%dma_start3A_111 : memref<1024x128xf32, #tpu.memory_space<hbm>>) target(%dma_start3A_106 : memref<128x128xf32, #tpu.memory_space<vmem>>) offsets(%dma_start3A_108 : memref<128xi32, #tpu.memory_space<vmem>>) semaphore(%arg7 : memref<!tpu.dma_semaphore, #tpu.memory_space<semaphore_mem>>)
    %dma_wait3A_112 = arith.constant 0 : i32
    %dma_wait3A_113 = arith.constant 0 : i32
    %dma_wait3A_114 = arith.constant 0 : i32
    %dma_wait3A_115 = tpu.memref_slice %arg6[%dma_wait3A_112, %dma_wait3A_113, %dma_wait3A_114] : memref<2x128x128xf32, #tpu.memory_space<vmem>> -> memref<1x128x128xf32, #tpu.memory_space<vmem>>
    %dma_wait3A_116 = tpu.memref_squeeze %dma_wait3A_115 : memref<1x128x128xf32, #tpu.memory_space<vmem>> -> memref<128x128xf32, #tpu.memory_space<vmem>>
    %dma_wait3A_117 = arith.constant 512 : i32
    %dma_wait3A_118 = tpu.memref_slice %arg5[%dma_wait3A_117] : memref<1152xi32, #tpu.memory_space<vmem>> -> memref<128xi32, #tpu.memory_space<vmem>>
    %dma_wait3A_119 = arith.constant 0 : i32
    %dma_wait3A_120 = arith.constant 0 : i32
    %dma_wait3A_121 = tpu.memref_slice %arg2[%dma_wait3A_119, %dma_wait3A_120] : memref<1024x128xf32, #tpu.memory_space<hbm>> -> memref<1024x128xf32, #tpu.memory_space<hbm>>
    tpu.wait_indirect_dma semaphore(%arg7 : memref<!tpu.dma_semaphore, #tpu.memory_space<semaphore_mem>>) src(%dma_wait3A_121 : memref<1024x128xf32, #tpu.memory_space<hbm>>) dst(%dma_wait3A_116 : memref<128x128xf32, #tpu.memory_space<vmem>>)
    %add3A_122 = arith.constant 512 : i32
    %add3A_123 = arith.addi %mul3A_2, %add3A_122 : i32
    %run_scoped3A_124 = arith.constant 0 : i32
    "tpu.region"() ({
      %run_scoped3A_207 = tpu.sem_alloc : memref<!tpu.dma_semaphore, #tpu.memory_space<semaphore_mem>>
      %dma_start3A_208 = arith.constant 0 : i32
      %dma_start3A_209 = arith.constant 0 : i32
      %dma_start3A_210 = tpu.memref_slice %arg6[%run_scoped3A_124, %dma_start3A_208, %dma_start3A_209] : memref<2x128x128xf32, #tpu.memory_space<vmem>> -> memref<1x128x128xf32, #tpu.memory_space<vmem>>
      %dma_start3A_211 = tpu.memref_squeeze %dma_start3A_210 : memref<1x128x128xf32, #tpu.memory_space<vmem>> -> memref<128x128xf32, #tpu.memory_space<vmem>>
      %dma_start3A_212 = arith.constant 0 : i32
      %dma_start3A_213 = tpu.memref_slice %arg4[%add3A_123, %dma_start3A_212] : memref<36864x128xf32, #tpu.memory_space<hbm>> -> memref<128x128xf32, #tpu.memory_space<hbm>>
      %dma_start3A_214 = arith.constant 0 : i32
      %dma_start3A_215 = tpu.memref_slice %arg4[%add3A_123, %dma_start3A_214] : memref<36864x128xf32, #tpu.memory_space<hbm>> -> memref<128x128xf32, #tpu.memory_space<hbm>>
      %dma_start3A_216 = arith.constant 0 : i32
      %dma_start3A_217 = arith.constant 0 : i32
      %dma_start3A_218 = tpu.memref_slice %arg6[%run_scoped3A_124, %dma_start3A_216, %dma_start3A_217] : memref<2x128x128xf32, #tpu.memory_space<vmem>> -> memref<1x128x128xf32, #tpu.memory_space<vmem>>
      %dma_start3A_219 = tpu.memref_squeeze %dma_start3A_218 : memref<1x128x128xf32, #tpu.memory_space<vmem>> -> memref<128x128xf32, #tpu.memory_space<vmem>>
      tpu.enqueue_dma source(%dma_start3A_219 : memref<128x128xf32, #tpu.memory_space<vmem>>) target(%dma_start3A_215 : memref<128x128xf32, #tpu.memory_space<hbm>>) target_semaphore(%run_scoped3A_207 : memref<!tpu.dma_semaphore, #tpu.memory_space<semaphore_mem>>)
      %dma_wait3A_220 = arith.constant 0 : i32
      %dma_wait3A_221 = arith.constant 0 : i32
      %dma_wait3A_222 = tpu.memref_slice %arg6[%run_scoped3A_124, %dma_wait3A_220, %dma_wait3A_221] : memref<2x128x128xf32, #tpu.memory_space<vmem>> -> memref<1x128x128xf32, #tpu.memory_space<vmem>>
      %dma_wait3A_223 = tpu.memref_squeeze %dma_wait3A_222 : memref<1x128x128xf32, #tpu.memory_space<vmem>> -> memref<128x128xf32, #tpu.memory_space<vmem>>
      %dma_wait3A_224 = arith.constant 0 : i32
      %dma_wait3A_225 = tpu.memref_slice %arg4[%add3A_123, %dma_wait3A_224] : memref<36864x128xf32, #tpu.memory_space<hbm>> -> memref<128x128xf32, #tpu.memory_space<hbm>>
      %dma_wait3A_226 = arith.constant 0 : i32
      %dma_wait3A_227 = tpu.memref_slice %arg4[%add3A_123, %dma_wait3A_226] : memref<36864x128xf32, #tpu.memory_space<hbm>> -> memref<128x128xf32, #tpu.memory_space<hbm>>
      %dma_wait3A_228 = arith.constant 0 : i32
      %dma_wait3A_229 = arith.constant 0 : i32
      %dma_wait3A_230 = tpu.memref_slice %arg6[%run_scoped3A_124, %dma_wait3A_228, %dma_wait3A_229] : memref<2x128x128xf32, #tpu.memory_space<vmem>> -> memref<1x128x128xf32, #tpu.memory_space<vmem>>
      %dma_wait3A_231 = tpu.memref_squeeze %dma_wait3A_230 : memref<1x128x128xf32, #tpu.memory_space<vmem>> -> memref<128x128xf32, #tpu.memory_space<vmem>>
      tpu.wait_dma2 semaphore(%run_scoped3A_207 : memref<!tpu.dma_semaphore, #tpu.memory_space<semaphore_mem>>) src(%dma_wait3A_231 : memref<128x128xf32, #tpu.memory_space<vmem>>) dst(%dma_wait3A_227 : memref<128x128xf32, #tpu.memory_space<hbm>>)
      tpu.yield
    }) : () -> ()
    %dma_start3A_125 = arith.constant 0 : i32
    %dma_start3A_126 = arith.constant 0 : i32
    %dma_start3A_127 = arith.constant 0 : i32
    %dma_start3A_128 = tpu.memref_slice %arg6[%dma_start3A_125, %dma_start3A_126, %dma_start3A_127] : memref<2x128x128xf32, #tpu.memory_space<vmem>> -> memref<1x128x128xf32, #tpu.memory_space<vmem>>
    %dma_start3A_129 = tpu.memref_squeeze %dma_start3A_128 : memref<1x128x128xf32, #tpu.memory_space<vmem>> -> memref<128x128xf32, #tpu.memory_space<vmem>>
    %dma_start3A_130 = arith.constant 768 : i32
    %dma_start3A_131 = tpu.memref_slice %arg5[%dma_start3A_130] : memref<1152xi32, #tpu.memory_space<vmem>> -> memref<128xi32, #tpu.memory_space<vmem>>
    %dma_start3A_132 = arith.constant 0 : i32
    %dma_start3A_133 = arith.constant 0 : i32
    %dma_start3A_134 = tpu.memref_slice %arg2[%dma_start3A_132, %dma_start3A_133] : memref<1024x128xf32, #tpu.memory_space<hbm>> -> memref<1024x128xf32, #tpu.memory_space<hbm>>
    tpu.enqueue_indirect_dma source(%dma_start3A_134 : memref<1024x128xf32, #tpu.memory_space<hbm>>) target(%dma_start3A_129 : memref<128x128xf32, #tpu.memory_space<vmem>>) offsets(%dma_start3A_131 : memref<128xi32, #tpu.memory_space<vmem>>) semaphore(%arg7 : memref<!tpu.dma_semaphore, #tpu.memory_space<semaphore_mem>>)
    %dma_wait3A_135 = arith.constant 1 : i32
    %dma_wait3A_136 = arith.constant 0 : i32
    %dma_wait3A_137 = arith.constant 0 : i32
    %dma_wait3A_138 = tpu.memref_slice %arg6[%dma_wait3A_135, %dma_wait3A_136, %dma_wait3A_137] : memref<2x128x128xf32, #tpu.memory_space<vmem>> -> memref<1x128x128xf32, #tpu.memory_space<vmem>>
    %dma_wait3A_139 = tpu.memref_squeeze %dma_wait3A_138 : memref<1x128x128xf32, #tpu.memory_space<vmem>> -> memref<128x128xf32, #tpu.memory_space<vmem>>
    %dma_wait3A_140 = arith.constant 640 : i32
    %dma_wait3A_141 = tpu.memref_slice %arg5[%dma_wait3A_140] : memref<1152xi32, #tpu.memory_space<vmem>> -> memref<128xi32, #tpu.memory_space<vmem>>
    %dma_wait3A_142 = arith.constant 0 : i32
    %dma_wait3A_143 = arith.constant 0 : i32
    %dma_wait3A_144 = tpu.memref_slice %arg2[%dma_wait3A_142, %dma_wait3A_143] : memref<1024x128xf32, #tpu.memory_space<hbm>> -> memref<1024x128xf32, #tpu.memory_space<hbm>>
    tpu.wait_indirect_dma semaphore(%arg7 : memref<!tpu.dma_semaphore, #tpu.memory_space<semaphore_mem>>) src(%dma_wait3A_144 : memref<1024x128xf32, #tpu.memory_space<hbm>>) dst(%dma_wait3A_139 : memref<128x128xf32, #tpu.memory_space<vmem>>)
    %add3A_145 = arith.constant 640 : i32
    %add3A_146 = arith.addi %mul3A_2, %add3A_145 : i32
    %run_scoped3A_147 = arith.constant 1 : i32
    "tpu.region"() ({
      %run_scoped3A_207 = tpu.sem_alloc : memref<!tpu.dma_semaphore, #tpu.memory_space<semaphore_mem>>
      %dma_start3A_208 = arith.constant 0 : i32
      %dma_start3A_209 = arith.constant 0 : i32
      %dma_start3A_210 = tpu.memref_slice %arg6[%run_scoped3A_147, %dma_start3A_208, %dma_start3A_209] : memref<2x128x128xf32, #tpu.memory_space<vmem>> -> memref<1x128x128xf32, #tpu.memory_space<vmem>>
      %dma_start3A_211 = tpu.memref_squeeze %dma_start3A_210 : memref<1x128x128xf32, #tpu.memory_space<vmem>> -> memref<128x128xf32, #tpu.memory_space<vmem>>
      %dma_start3A_212 = arith.constant 0 : i32
      %dma_start3A_213 = tpu.memref_slice %arg4[%add3A_146, %dma_start3A_212] : memref<36864x128xf32, #tpu.memory_space<hbm>> -> memref<128x128xf32, #tpu.memory_space<hbm>>
      %dma_start3A_214 = arith.constant 0 : i32
      %dma_start3A_215 = tpu.memref_slice %arg4[%add3A_146, %dma_start3A_214] : memref<36864x128xf32, #tpu.memory_space<hbm>> -> memref<128x128xf32, #tpu.memory_space<hbm>>
      %dma_start3A_216 = arith.constant 0 : i32
      %dma_start3A_217 = arith.constant 0 : i32
      %dma_start3A_218 = tpu.memref_slice %arg6[%run_scoped3A_147, %dma_start3A_216, %dma_start3A_217] : memref<2x128x128xf32, #tpu.memory_space<vmem>> -> memref<1x128x128xf32, #tpu.memory_space<vmem>>
      %dma_start3A_219 = tpu.memref_squeeze %dma_start3A_218 : memref<1x128x128xf32, #tpu.memory_space<vmem>> -> memref<128x128xf32, #tpu.memory_space<vmem>>
      tpu.enqueue_dma source(%dma_start3A_219 : memref<128x128xf32, #tpu.memory_space<vmem>>) target(%dma_start3A_215 : memref<128x128xf32, #tpu.memory_space<hbm>>) target_semaphore(%run_scoped3A_207 : memref<!tpu.dma_semaphore, #tpu.memory_space<semaphore_mem>>)
      %dma_wait3A_220 = arith.constant 0 : i32
      %dma_wait3A_221 = arith.constant 0 : i32
      %dma_wait3A_222 = tpu.memref_slice %arg6[%run_scoped3A_147, %dma_wait3A_220, %dma_wait3A_221] : memref<2x128x128xf32, #tpu.memory_space<vmem>> -> memref<1x128x128xf32, #tpu.memory_space<vmem>>
      %dma_wait3A_223 = tpu.memref_squeeze %dma_wait3A_222 : memref<1x128x128xf32, #tpu.memory_space<vmem>> -> memref<128x128xf32, #tpu.memory_space<vmem>>
      %dma_wait3A_224 = arith.constant 0 : i32
      %dma_wait3A_225 = tpu.memref_slice %arg4[%add3A_146, %dma_wait3A_224] : memref<36864x128xf32, #tpu.memory_space<hbm>> -> memref<128x128xf32, #tpu.memory_space<hbm>>
      %dma_wait3A_226 = arith.constant 0 : i32
      %dma_wait3A_227 = tpu.memref_slice %arg4[%add3A_146, %dma_wait3A_226] : memref<36864x128xf32, #tpu.memory_space<hbm>> -> memref<128x128xf32, #tpu.memory_space<hbm>>
      %dma_wait3A_228 = arith.constant 0 : i32
      %dma_wait3A_229 = arith.constant 0 : i32
      %dma_wait3A_230 = tpu.memref_slice %arg6[%run_scoped3A_147, %dma_wait3A_228, %dma_wait3A_229] : memref<2x128x128xf32, #tpu.memory_space<vmem>> -> memref<1x128x128xf32, #tpu.memory_space<vmem>>
      %dma_wait3A_231 = tpu.memref_squeeze %dma_wait3A_230 : memref<1x128x128xf32, #tpu.memory_space<vmem>> -> memref<128x128xf32, #tpu.memory_space<vmem>>
      tpu.wait_dma2 semaphore(%run_scoped3A_207 : memref<!tpu.dma_semaphore, #tpu.memory_space<semaphore_mem>>) src(%dma_wait3A_231 : memref<128x128xf32, #tpu.memory_space<vmem>>) dst(%dma_wait3A_227 : memref<128x128xf32, #tpu.memory_space<hbm>>)
      tpu.yield
    }) : () -> ()
    %dma_start3A_148 = arith.constant 1 : i32
    %dma_start3A_149 = arith.constant 0 : i32
    %dma_start3A_150 = arith.constant 0 : i32
    %dma_start3A_151 = tpu.memref_slice %arg6[%dma_start3A_148, %dma_start3A_149, %dma_start3A_150] : memref<2x128x128xf32, #tpu.memory_space<vmem>> -> memref<1x128x128xf32, #tpu.memory_space<vmem>>
    %dma_start3A_152 = tpu.memref_squeeze %dma_start3A_151 : memref<1x128x128xf32, #tpu.memory_space<vmem>> -> memref<128x128xf32, #tpu.memory_space<vmem>>
    %dma_start3A_153 = arith.constant 896 : i32
    %dma_start3A_154 = tpu.memref_slice %arg5[%dma_start3A_153] : memref<1152xi32, #tpu.memory_space<vmem>> -> memref<128xi32, #tpu.memory_space<vmem>>
    %dma_start3A_155 = arith.constant 0 : i32
    %dma_start3A_156 = arith.constant 0 : i32
    %dma_start3A_157 = tpu.memref_slice %arg2[%dma_start3A_155, %dma_start3A_156] : memref<1024x128xf32, #tpu.memory_space<hbm>> -> memref<1024x128xf32, #tpu.memory_space<hbm>>
    tpu.enqueue_indirect_dma source(%dma_start3A_157 : memref<1024x128xf32, #tpu.memory_space<hbm>>) target(%dma_start3A_152 : memref<128x128xf32, #tpu.memory_space<vmem>>) offsets(%dma_start3A_154 : memref<128xi32, #tpu.memory_space<vmem>>) semaphore(%arg7 : memref<!tpu.dma_semaphore, #tpu.memory_space<semaphore_mem>>)
    %dma_wait3A_158 = arith.constant 0 : i32
    %dma_wait3A_159 = arith.constant 0 : i32
    %dma_wait3A_160 = arith.constant 0 : i32
    %dma_wait3A_161 = tpu.memref_slice %arg6[%dma_wait3A_158, %dma_wait3A_159, %dma_wait3A_160] : memref<2x128x128xf32, #tpu.memory_space<vmem>> -> memref<1x128x128xf32, #tpu.memory_space<vmem>>
    %dma_wait3A_162 = tpu.memref_squeeze %dma_wait3A_161 : memref<1x128x128xf32, #tpu.memory_space<vmem>> -> memref<128x128xf32, #tpu.memory_space<vmem>>
    %dma_wait3A_163 = arith.constant 768 : i32
    %dma_wait3A_164 = tpu.memref_slice %arg5[%dma_wait3A_163] : memref<1152xi32, #tpu.memory_space<vmem>> -> memref<128xi32, #tpu.memory_space<vmem>>
    %dma_wait3A_165 = arith.constant 0 : i32
    %dma_wait3A_166 = arith.constant 0 : i32
    %dma_wait3A_167 = tpu.memref_slice %arg2[%dma_wait3A_165, %dma_wait3A_166] : memref<1024x128xf32, #tpu.memory_space<hbm>> -> memref<1024x128xf32, #tpu.memory_space<hbm>>
    tpu.wait_indirect_dma semaphore(%arg7 : memref<!tpu.dma_semaphore, #tpu.memory_space<semaphore_mem>>) src(%dma_wait3A_167 : memref<1024x128xf32, #tpu.memory_space<hbm>>) dst(%dma_wait3A_162 : memref<128x128xf32, #tpu.memory_space<vmem>>)
    %add3A_168 = arith.constant 768 : i32
    %add3A_169 = arith.addi %mul3A_2, %add3A_168 : i32
    %run_scoped3A_170 = arith.constant 0 : i32
    "tpu.region"() ({
      %run_scoped3A_207 = tpu.sem_alloc : memref<!tpu.dma_semaphore, #tpu.memory_space<semaphore_mem>>
      %dma_start3A_208 = arith.constant 0 : i32
      %dma_start3A_209 = arith.constant 0 : i32
      %dma_start3A_210 = tpu.memref_slice %arg6[%run_scoped3A_170, %dma_start3A_208, %dma_start3A_209] : memref<2x128x128xf32, #tpu.memory_space<vmem>> -> memref<1x128x128xf32, #tpu.memory_space<vmem>>
      %dma_start3A_211 = tpu.memref_squeeze %dma_start3A_210 : memref<1x128x128xf32, #tpu.memory_space<vmem>> -> memref<128x128xf32, #tpu.memory_space<vmem>>
      %dma_start3A_212 = arith.constant 0 : i32
      %dma_start3A_213 = tpu.memref_slice %arg4[%add3A_169, %dma_start3A_212] : memref<36864x128xf32, #tpu.memory_space<hbm>> -> memref<128x128xf32, #tpu.memory_space<hbm>>
      %dma_start3A_214 = arith.constant 0 : i32
      %dma_start3A_215 = tpu.memref_slice %arg4[%add3A_169, %dma_start3A_214] : memref<36864x128xf32, #tpu.memory_space<hbm>> -> memref<128x128xf32, #tpu.memory_space<hbm>>
      %dma_start3A_216 = arith.constant 0 : i32
      %dma_start3A_217 = arith.constant 0 : i32
      %dma_start3A_218 = tpu.memref_slice %arg6[%run_scoped3A_170, %dma_start3A_216, %dma_start3A_217] : memref<2x128x128xf32, #tpu.memory_space<vmem>> -> memref<1x128x128xf32, #tpu.memory_space<vmem>>
      %dma_start3A_219 = tpu.memref_squeeze %dma_start3A_218 : memref<1x128x128xf32, #tpu.memory_space<vmem>> -> memref<128x128xf32, #tpu.memory_space<vmem>>
      tpu.enqueue_dma source(%dma_start3A_219 : memref<128x128xf32, #tpu.memory_space<vmem>>) target(%dma_start3A_215 : memref<128x128xf32, #tpu.memory_space<hbm>>) target_semaphore(%run_scoped3A_207 : memref<!tpu.dma_semaphore, #tpu.memory_space<semaphore_mem>>)
      %dma_wait3A_220 = arith.constant 0 : i32
      %dma_wait3A_221 = arith.constant 0 : i32
      %dma_wait3A_222 = tpu.memref_slice %arg6[%run_scoped3A_170, %dma_wait3A_220, %dma_wait3A_221] : memref<2x128x128xf32, #tpu.memory_space<vmem>> -> memref<1x128x128xf32, #tpu.memory_space<vmem>>
      %dma_wait3A_223 = tpu.memref_squeeze %dma_wait3A_222 : memref<1x128x128xf32, #tpu.memory_space<vmem>> -> memref<128x128xf32, #tpu.memory_space<vmem>>
      %dma_wait3A_224 = arith.constant 0 : i32
      %dma_wait3A_225 = tpu.memref_slice %arg4[%add3A_169, %dma_wait3A_224] : memref<36864x128xf32, #tpu.memory_space<hbm>> -> memref<128x128xf32, #tpu.memory_space<hbm>>
      %dma_wait3A_226 = arith.constant 0 : i32
      %dma_wait3A_227 = tpu.memref_slice %arg4[%add3A_169, %dma_wait3A_226] : memref<36864x128xf32, #tpu.memory_space<hbm>> -> memref<128x128xf32, #tpu.memory_space<hbm>>
      %dma_wait3A_228 = arith.constant 0 : i32
      %dma_wait3A_229 = arith.constant 0 : i32
      %dma_wait3A_230 = tpu.memref_slice %arg6[%run_scoped3A_170, %dma_wait3A_228, %dma_wait3A_229] : memref<2x128x128xf32, #tpu.memory_space<vmem>> -> memref<1x128x128xf32, #tpu.memory_space<vmem>>
      %dma_wait3A_231 = tpu.memref_squeeze %dma_wait3A_230 : memref<1x128x128xf32, #tpu.memory_space<vmem>> -> memref<128x128xf32, #tpu.memory_space<vmem>>
      tpu.wait_dma2 semaphore(%run_scoped3A_207 : memref<!tpu.dma_semaphore, #tpu.memory_space<semaphore_mem>>) src(%dma_wait3A_231 : memref<128x128xf32, #tpu.memory_space<vmem>>) dst(%dma_wait3A_227 : memref<128x128xf32, #tpu.memory_space<hbm>>)
      tpu.yield
    }) : () -> ()
    %dma_start3A_171 = arith.constant 0 : i32
    %dma_start3A_172 = arith.constant 0 : i32
    %dma_start3A_173 = arith.constant 0 : i32
    %dma_start3A_174 = tpu.memref_slice %arg6[%dma_start3A_171, %dma_start3A_172, %dma_start3A_173] : memref<2x128x128xf32, #tpu.memory_space<vmem>> -> memref<1x128x128xf32, #tpu.memory_space<vmem>>
    %dma_start3A_175 = tpu.memref_squeeze %dma_start3A_174 : memref<1x128x128xf32, #tpu.memory_space<vmem>> -> memref<128x128xf32, #tpu.memory_space<vmem>>
    %dma_start3A_176 = arith.constant 1024 : i32
    %dma_start3A_177 = tpu.memref_slice %arg5[%dma_start3A_176] : memref<1152xi32, #tpu.memory_space<vmem>> -> memref<128xi32, #tpu.memory_space<vmem>>
    %dma_start3A_178 = arith.constant 0 : i32
    %dma_start3A_179 = arith.constant 0 : i32
    %dma_start3A_180 = tpu.memref_slice %arg2[%dma_start3A_178, %dma_start3A_179] : memref<1024x128xf32, #tpu.memory_space<hbm>> -> memref<1024x128xf32, #tpu.memory_space<hbm>>
    tpu.enqueue_indirect_dma source(%dma_start3A_180 : memref<1024x128xf32, #tpu.memory_space<hbm>>) target(%dma_start3A_175 : memref<128x128xf32, #tpu.memory_space<vmem>>) offsets(%dma_start3A_177 : memref<128xi32, #tpu.memory_space<vmem>>) semaphore(%arg7 : memref<!tpu.dma_semaphore, #tpu.memory_space<semaphore_mem>>)
    %dma_wait3A_181 = arith.constant 1 : i32
    %dma_wait3A_182 = arith.constant 0 : i32
    %dma_wait3A_183 = arith.constant 0 : i32
    %dma_wait3A_184 = tpu.memref_slice %arg6[%dma_wait3A_181, %dma_wait3A_182, %dma_wait3A_183] : memref<2x128x128xf32, #tpu.memory_space<vmem>> -> memref<1x128x128xf32, #tpu.memory_space<vmem>>
    %dma_wait3A_185 = tpu.memref_squeeze %dma_wait3A_184 : memref<1x128x128xf32, #tpu.memory_space<vmem>> -> memref<128x128xf32, #tpu.memory_space<vmem>>
    %dma_wait3A_186 = arith.constant 896 : i32
    %dma_wait3A_187 = tpu.memref_slice %arg5[%dma_wait3A_186] : memref<1152xi32, #tpu.memory_space<vmem>> -> memref<128xi32, #tpu.memory_space<vmem>>
    %dma_wait3A_188 = arith.constant 0 : i32
    %dma_wait3A_189 = arith.constant 0 : i32
    %dma_wait3A_190 = tpu.memref_slice %arg2[%dma_wait3A_188, %dma_wait3A_189] : memref<1024x128xf32, #tpu.memory_space<hbm>> -> memref<1024x128xf32, #tpu.memory_space<hbm>>
    tpu.wait_indirect_dma semaphore(%arg7 : memref<!tpu.dma_semaphore, #tpu.memory_space<semaphore_mem>>) src(%dma_wait3A_190 : memref<1024x128xf32, #tpu.memory_space<hbm>>) dst(%dma_wait3A_185 : memref<128x128xf32, #tpu.memory_space<vmem>>)
    %add3A_191 = arith.constant 896 : i32
    %add3A_192 = arith.addi %mul3A_2, %add3A_191 : i32
    %run_scoped3A_193 = arith.constant 1 : i32
    "tpu.region"() ({
      %run_scoped3A_207 = tpu.sem_alloc : memref<!tpu.dma_semaphore, #tpu.memory_space<semaphore_mem>>
      %dma_start3A_208 = arith.constant 0 : i32
      %dma_start3A_209 = arith.constant 0 : i32
      %dma_start3A_210 = tpu.memref_slice %arg6[%run_scoped3A_193, %dma_start3A_208, %dma_start3A_209] : memref<2x128x128xf32, #tpu.memory_space<vmem>> -> memref<1x128x128xf32, #tpu.memory_space<vmem>>
      %dma_start3A_211 = tpu.memref_squeeze %dma_start3A_210 : memref<1x128x128xf32, #tpu.memory_space<vmem>> -> memref<128x128xf32, #tpu.memory_space<vmem>>
      %dma_start3A_212 = arith.constant 0 : i32
      %dma_start3A_213 = tpu.memref_slice %arg4[%add3A_192, %dma_start3A_212] : memref<36864x128xf32, #tpu.memory_space<hbm>> -> memref<128x128xf32, #tpu.memory_space<hbm>>
      %dma_start3A_214 = arith.constant 0 : i32
      %dma_start3A_215 = tpu.memref_slice %arg4[%add3A_192, %dma_start3A_214] : memref<36864x128xf32, #tpu.memory_space<hbm>> -> memref<128x128xf32, #tpu.memory_space<hbm>>
      %dma_start3A_216 = arith.constant 0 : i32
      %dma_start3A_217 = arith.constant 0 : i32
      %dma_start3A_218 = tpu.memref_slice %arg6[%run_scoped3A_193, %dma_start3A_216, %dma_start3A_217] : memref<2x128x128xf32, #tpu.memory_space<vmem>> -> memref<1x128x128xf32, #tpu.memory_space<vmem>>
      %dma_start3A_219 = tpu.memref_squeeze %dma_start3A_218 : memref<1x128x128xf32, #tpu.memory_space<vmem>> -> memref<128x128xf32, #tpu.memory_space<vmem>>
      tpu.enqueue_dma source(%dma_start3A_219 : memref<128x128xf32, #tpu.memory_space<vmem>>) target(%dma_start3A_215 : memref<128x128xf32, #tpu.memory_space<hbm>>) target_semaphore(%run_scoped3A_207 : memref<!tpu.dma_semaphore, #tpu.memory_space<semaphore_mem>>)
      %dma_wait3A_220 = arith.constant 0 : i32
      %dma_wait3A_221 = arith.constant 0 : i32
      %dma_wait3A_222 = tpu.memref_slice %arg6[%run_scoped3A_193, %dma_wait3A_220, %dma_wait3A_221] : memref<2x128x128xf32, #tpu.memory_space<vmem>> -> memref<1x128x128xf32, #tpu.memory_space<vmem>>
      %dma_wait3A_223 = tpu.memref_squeeze %dma_wait3A_222 : memref<1x128x128xf32, #tpu.memory_space<vmem>> -> memref<128x128xf32, #tpu.memory_space<vmem>>
      %dma_wait3A_224 = arith.constant 0 : i32
      %dma_wait3A_225 = tpu.memref_slice %arg4[%add3A_192, %dma_wait3A_224] : memref<36864x128xf32, #tpu.memory_space<hbm>> -> memref<128x128xf32, #tpu.memory_space<hbm>>
      %dma_wait3A_226 = arith.constant 0 : i32
      %dma_wait3A_227 = tpu.memref_slice %arg4[%add3A_192, %dma_wait3A_226] : memref<36864x128xf32, #tpu.memory_space<hbm>> -> memref<128x128xf32, #tpu.memory_space<hbm>>
      %dma_wait3A_228 = arith.constant 0 : i32
      %dma_wait3A_229 = arith.constant 0 : i32
      %dma_wait3A_230 = tpu.memref_slice %arg6[%run_scoped3A_193, %dma_wait3A_228, %dma_wait3A_229] : memref<2x128x128xf32, #tpu.memory_space<vmem>> -> memref<1x128x128xf32, #tpu.memory_space<vmem>>
      %dma_wait3A_231 = tpu.memref_squeeze %dma_wait3A_230 : memref<1x128x128xf32, #tpu.memory_space<vmem>> -> memref<128x128xf32, #tpu.memory_space<vmem>>
      tpu.wait_dma2 semaphore(%run_scoped3A_207 : memref<!tpu.dma_semaphore, #tpu.memory_space<semaphore_mem>>) src(%dma_wait3A_231 : memref<128x128xf32, #tpu.memory_space<vmem>>) dst(%dma_wait3A_227 : memref<128x128xf32, #tpu.memory_space<hbm>>)
      tpu.yield
    }) : () -> ()
    %dma_wait3A_194 = arith.constant 0 : i32
    %dma_wait3A_195 = arith.constant 0 : i32
    %dma_wait3A_196 = arith.constant 0 : i32
    %dma_wait3A_197 = tpu.memref_slice %arg6[%dma_wait3A_194, %dma_wait3A_195, %dma_wait3A_196] : memref<2x128x128xf32, #tpu.memory_space<vmem>> -> memref<1x128x128xf32, #tpu.memory_space<vmem>>
    %dma_wait3A_198 = tpu.memref_squeeze %dma_wait3A_197 : memref<1x128x128xf32, #tpu.memory_space<vmem>> -> memref<128x128xf32, #tpu.memory_space<vmem>>
    %dma_wait3A_199 = arith.constant 1024 : i32
    %dma_wait3A_200 = tpu.memref_slice %arg5[%dma_wait3A_199] : memref<1152xi32, #tpu.memory_space<vmem>> -> memref<128xi32, #tpu.memory_space<vmem>>
    %dma_wait3A_201 = arith.constant 0 : i32
    %dma_wait3A_202 = arith.constant 0 : i32
    %dma_wait3A_203 = tpu.memref_slice %arg2[%dma_wait3A_201, %dma_wait3A_202] : memref<1024x128xf32, #tpu.memory_space<hbm>> -> memref<1024x128xf32, #tpu.memory_space<hbm>>
    tpu.wait_indirect_dma semaphore(%arg7 : memref<!tpu.dma_semaphore, #tpu.memory_space<semaphore_mem>>) src(%dma_wait3A_203 : memref<1024x128xf32, #tpu.memory_space<hbm>>) dst(%dma_wait3A_198 : memref<128x128xf32, #tpu.memory_space<vmem>>)
    %add3A_204 = arith.constant 1024 : i32
    %add3A_205 = arith.addi %mul3A_2, %add3A_204 : i32
    %run_scoped3A_206 = arith.constant 0 : i32
    "tpu.region"() ({
      %run_scoped3A_207 = tpu.sem_alloc : memref<!tpu.dma_semaphore, #tpu.memory_space<semaphore_mem>>
      %dma_start3A_208 = arith.constant 0 : i32
      %dma_start3A_209 = arith.constant 0 : i32
      %dma_start3A_210 = tpu.memref_slice %arg6[%run_scoped3A_206, %dma_start3A_208, %dma_start3A_209] : memref<2x128x128xf32, #tpu.memory_space<vmem>> -> memref<1x128x128xf32, #tpu.memory_space<vmem>>
      %dma_start3A_211 = tpu.memref_squeeze %dma_start3A_210 : memref<1x128x128xf32, #tpu.memory_space<vmem>> -> memref<128x128xf32, #tpu.memory_space<vmem>>
      %dma_start3A_212 = arith.constant 0 : i32
      %dma_start3A_213 = tpu.memref_slice %arg4[%add3A_205, %dma_start3A_212] : memref<36864x128xf32, #tpu.memory_space<hbm>> -> memref<128x128xf32, #tpu.memory_space<hbm>>
      %dma_start3A_214 = arith.constant 0 : i32
      %dma_start3A_215 = tpu.memref_slice %arg4[%add3A_205, %dma_start3A_214] : memref<36864x128xf32, #tpu.memory_space<hbm>> -> memref<128x128xf32, #tpu.memory_space<hbm>>
      %dma_start3A_216 = arith.constant 0 : i32
      %dma_start3A_217 = arith.constant 0 : i32
      %dma_start3A_218 = tpu.memref_slice %arg6[%run_scoped3A_206, %dma_start3A_216, %dma_start3A_217] : memref<2x128x128xf32, #tpu.memory_space<vmem>> -> memref<1x128x128xf32, #tpu.memory_space<vmem>>
      %dma_start3A_219 = tpu.memref_squeeze %dma_start3A_218 : memref<1x128x128xf32, #tpu.memory_space<vmem>> -> memref<128x128xf32, #tpu.memory_space<vmem>>
      tpu.enqueue_dma source(%dma_start3A_219 : memref<128x128xf32, #tpu.memory_space<vmem>>) target(%dma_start3A_215 : memref<128x128xf32, #tpu.memory_space<hbm>>) target_semaphore(%run_scoped3A_207 : memref<!tpu.dma_semaphore, #tpu.memory_space<semaphore_mem>>)
      %dma_wait3A_220 = arith.constant 0 : i32
      %dma_wait3A_221 = arith.constant 0 : i32
      %dma_wait3A_222 = tpu.memref_slice %arg6[%run_scoped3A_206, %dma_wait3A_220, %dma_wait3A_221] : memref<2x128x128xf32, #tpu.memory_space<vmem>> -> memref<1x128x128xf32, #tpu.memory_space<vmem>>
      %dma_wait3A_223 = tpu.memref_squeeze %dma_wait3A_222 : memref<1x128x128xf32, #tpu.memory_space<vmem>> -> memref<128x128xf32, #tpu.memory_space<vmem>>
      %dma_wait3A_224 = arith.constant 0 : i32
      %dma_wait3A_225 = tpu.memref_slice %arg4[%add3A_205, %dma_wait3A_224] : memref<36864x128xf32, #tpu.memory_space<hbm>> -> memref<128x128xf32, #tpu.memory_space<hbm>>
      %dma_wait3A_226 = arith.constant 0 : i32
      %dma_wait3A_227 = tpu.memref_slice %arg4[%add3A_205, %dma_wait3A_226] : memref<36864x128xf32, #tpu.memory_space<hbm>> -> memref<128x128xf32, #tpu.memory_space<hbm>>
      %dma_wait3A_228 = arith.constant 0 : i32
      %dma_wait3A_229 = arith.constant 0 : i32
      %dma_wait3A_230 = tpu.memref_slice %arg6[%run_scoped3A_206, %dma_wait3A_228, %dma_wait3A_229] : memref<2x128x128xf32, #tpu.memory_space<vmem>> -> memref<1x128x128xf32, #tpu.memory_space<vmem>>
      %dma_wait3A_231 = tpu.memref_squeeze %dma_wait3A_230 : memref<1x128x128xf32, #tpu.memory_space<vmem>> -> memref<128x128xf32, #tpu.memory_space<vmem>>
      tpu.wait_dma2 semaphore(%run_scoped3A_207 : memref<!tpu.dma_semaphore, #tpu.memory_space<semaphore_mem>>) src(%dma_wait3A_231 : memref<128x128xf32, #tpu.memory_space<vmem>>) dst(%dma_wait3A_227 : memref<128x128xf32, #tpu.memory_space<hbm>>)
      tpu.yield
    }) : () -> ()
    return
  }
}

module attributes {stable_mosaic.version = 14 : i64} {
  func.func @_argmin_block(%arg0: i32, %arg1: memref<2x576x64xf32, #tpu.memory_space<vmem>>, %arg2: memref<1024x64xf32, #tpu.memory_space<vmem>>, %arg3: memref<8x576xi32, #tpu.memory_space<vmem>>, %arg4: memref<36864xi32, #tpu.memory_space<vmem>>) attributes {dimension_semantics = [#tpu.dimension_semantics<arbitrary>], iteration_bounds = array<i64: 32>, scalar_prefetch = 0 : i64, scratch_operands = 0 : i64, tpu.core_type = #tpu.core_type<tc>, window_params = [{transform_indices = @transform_0, window_bounds = array<i64: 2, 576, 64>}, {pipeline_mode = #tpu.pipeline_mode<synchronous>, transform_indices = @transform_1, window_bounds = array<i64: 1024, 64>}, {transform_indices = @transform_2, window_bounds = array<i64: 8, 576>}, {pipeline_mode = #tpu.pipeline_mode<synchronous>, transform_indices = @transform_3, window_bounds = array<i64: 36864>}]} {
    %get3A = arith.constant 0 : index
    %get3A_0 = arith.constant 0 : index
    %get3A_1 = vector.load %arg2[%get3A, %get3A_0] : memref<1024x64xf32, #tpu.memory_space<vmem>>, vector<1024x64xf32>
    %mul3A = arith.mulf %get3A_1, %get3A_1 : vector<1024x64xf32>
    %reduce_sum3A = arith.constant dense<0.000000e+00> : vector<1024xf32>
    %reduce_sum3A_2 = vector.multi_reduction <add>, %mul3A, %reduce_sum3A [1] : vector<1024x64xf32> to vector<1024xf32>
    %broadcast_in_dim3A = arith.constant 1.000000e+00 : f32
    %broadcast_in_dim3A_3 = vector.broadcast %broadcast_in_dim3A : f32 to vector<64x128xf32>
    %get3A_4 = arith.constant 0 : index
    %get3A_5 = arith.constant 0 : index
    %get3A_6 = arith.constant 0 : index
    %get3A_7 = vector.load %arg1[%get3A_4, %get3A_5, %get3A_6] : memref<2x576x64xf32, #tpu.memory_space<vmem>>, vector<1x576x64xf32>
    %get3A_8 = vector.shape_cast %get3A_7 : vector<1x576x64xf32> to vector<576x64xf32>
    %mul3A_9 = arith.constant -2.000000e+00 : f32
    %mul3A_10 = vector.broadcast %mul3A_9 : f32 to vector<576x64xf32>
    %mul3A_11 = arith.mulf %get3A_8, %mul3A_10 : vector<576x64xf32>
    %dot_general3A = arith.constant dense<0.000000e+00> : vector<576x1024xf32>
    %dot_general3A_12 = tpu.matmul %mul3A_11, %get3A_1, %dot_general3A {dimension_numbers = #tpu.dot_dimension_numbers<[1], [1], [0], [0], [0, 0, 1, 0], [], []>, transpose_lhs_hint = false} : vector<576x64xf32>, vector<1024x64xf32>, vector<576x1024xf32> -> vector<576x1024xf32>
    %mul3A_13 = arith.mulf %get3A_8, %get3A_8 : vector<576x64xf32>
    %dot_general3A_14 = arith.constant dense<0.000000e+00> : vector<576x128xf32>
    %dot_general3A_15 = tpu.matmul %mul3A_13, %broadcast_in_dim3A_3, %dot_general3A_14 {dimension_numbers = #tpu.dot_dimension_numbers<[1], [0], [0], [1], [0, 0, 1, 1], [], []>, transpose_lhs_hint = false} : vector<576x64xf32>, vector<64x128xf32>, vector<576x128xf32> -> vector<576x128xf32>
    %slice3A = vector.extract_strided_slice %dot_general3A_12 {offsets = [0, 0], sizes = [576, 128], strides = [1, 1]} : vector<576x1024xf32> to vector<576x128xf32>
    %add3A = arith.addf %dot_general3A_15, %slice3A : vector<576x128xf32>
    %slice3A_16 = vector.extract_strided_slice %reduce_sum3A_2 {offsets = [0], sizes = [128], strides = [1]} : vector<1024xf32> to vector<128xf32>
    %broadcast_in_dim3A_17 = vector.shape_cast %slice3A_16 : vector<128xf32> to vector<1x128xf32>
    %add3A_18 = vector.broadcast %broadcast_in_dim3A_17 : vector<1x128xf32> to vector<576x128xf32>
    %add3A_19 = arith.addf %add3A, %add3A_18 : vector<576x128xf32>
    %broadcast_in_dim3A_20 = arith.constant 0 : i32
    %broadcast_in_dim3A_21 = vector.broadcast %broadcast_in_dim3A_20 : i32 to vector<576x128xi32>
    %slice3A_22 = vector.extract_strided_slice %dot_general3A_12 {offsets = [0, 128], sizes = [576, 128], strides = [1, 1]} : vector<576x1024xf32> to vector<576x128xf32>
    %add3A_23 = arith.addf %dot_general3A_15, %slice3A_22 : vector<576x128xf32>
    %slice3A_24 = vector.extract_strided_slice %reduce_sum3A_2 {offsets = [128], sizes = [128], strides = [1]} : vector<1024xf32> to vector<128xf32>
    %broadcast_in_dim3A_25 = vector.shape_cast %slice3A_24 : vector<128xf32> to vector<1x128xf32>
    %add3A_26 = vector.broadcast %broadcast_in_dim3A_25 : vector<1x128xf32> to vector<576x128xf32>
    %add3A_27 = arith.addf %add3A_23, %add3A_26 : vector<576x128xf32>
    %lt3A = arith.cmpf olt, %add3A_27, %add3A_19 : vector<576x128xf32>
    %select_n3A = arith.select %lt3A, %add3A_27, %add3A_19 : vector<576x128xi1>, vector<576x128xf32>
    %jit3A = arith.constant 1 : i32
    %broadcast_in_dim3A_28 = vector.broadcast %jit3A : i32 to vector<576x128xi32>
    %select_n3A_29 = arith.select %lt3A, %broadcast_in_dim3A_28, %broadcast_in_dim3A_21 : vector<576x128xi1>, vector<576x128xi32>
    %slice3A_30 = vector.extract_strided_slice %dot_general3A_12 {offsets = [0, 256], sizes = [576, 128], strides = [1, 1]} : vector<576x1024xf32> to vector<576x128xf32>
    %add3A_31 = arith.addf %dot_general3A_15, %slice3A_30 : vector<576x128xf32>
    %slice3A_32 = vector.extract_strided_slice %reduce_sum3A_2 {offsets = [256], sizes = [128], strides = [1]} : vector<1024xf32> to vector<128xf32>
    %broadcast_in_dim3A_33 = vector.shape_cast %slice3A_32 : vector<128xf32> to vector<1x128xf32>
    %add3A_34 = vector.broadcast %broadcast_in_dim3A_33 : vector<1x128xf32> to vector<576x128xf32>
    %add3A_35 = arith.addf %add3A_31, %add3A_34 : vector<576x128xf32>
    %lt3A_36 = arith.cmpf olt, %add3A_35, %select_n3A : vector<576x128xf32>
    %select_n3A_37 = arith.select %lt3A_36, %add3A_35, %select_n3A : vector<576x128xi1>, vector<576x128xf32>
    %jit3A_38 = arith.constant 2 : i32
    %broadcast_in_dim3A_39 = vector.broadcast %jit3A_38 : i32 to vector<576x128xi32>
    %select_n3A_40 = arith.select %lt3A_36, %broadcast_in_dim3A_39, %select_n3A_29 : vector<576x128xi1>, vector<576x128xi32>
    %slice3A_41 = vector.extract_strided_slice %dot_general3A_12 {offsets = [0, 384], sizes = [576, 128], strides = [1, 1]} : vector<576x1024xf32> to vector<576x128xf32>
    %add3A_42 = arith.addf %dot_general3A_15, %slice3A_41 : vector<576x128xf32>
    %slice3A_43 = vector.extract_strided_slice %reduce_sum3A_2 {offsets = [384], sizes = [128], strides = [1]} : vector<1024xf32> to vector<128xf32>
    %broadcast_in_dim3A_44 = vector.shape_cast %slice3A_43 : vector<128xf32> to vector<1x128xf32>
    %add3A_45 = vector.broadcast %broadcast_in_dim3A_44 : vector<1x128xf32> to vector<576x128xf32>
    %add3A_46 = arith.addf %add3A_42, %add3A_45 : vector<576x128xf32>
    %lt3A_47 = arith.cmpf olt, %add3A_46, %select_n3A_37 : vector<576x128xf32>
    %select_n3A_48 = arith.select %lt3A_47, %add3A_46, %select_n3A_37 : vector<576x128xi1>, vector<576x128xf32>
    %jit3A_49 = arith.constant 3 : i32
    %broadcast_in_dim3A_50 = vector.broadcast %jit3A_49 : i32 to vector<576x128xi32>
    %select_n3A_51 = arith.select %lt3A_47, %broadcast_in_dim3A_50, %select_n3A_40 : vector<576x128xi1>, vector<576x128xi32>
    %slice3A_52 = vector.extract_strided_slice %dot_general3A_12 {offsets = [0, 512], sizes = [576, 128], strides = [1, 1]} : vector<576x1024xf32> to vector<576x128xf32>
    %add3A_53 = arith.addf %dot_general3A_15, %slice3A_52 : vector<576x128xf32>
    %slice3A_54 = vector.extract_strided_slice %reduce_sum3A_2 {offsets = [512], sizes = [128], strides = [1]} : vector<1024xf32> to vector<128xf32>
    %broadcast_in_dim3A_55 = vector.shape_cast %slice3A_54 : vector<128xf32> to vector<1x128xf32>
    %add3A_56 = vector.broadcast %broadcast_in_dim3A_55 : vector<1x128xf32> to vector<576x128xf32>
    %add3A_57 = arith.addf %add3A_53, %add3A_56 : vector<576x128xf32>
    %lt3A_58 = arith.cmpf olt, %add3A_57, %select_n3A_48 : vector<576x128xf32>
    %select_n3A_59 = arith.select %lt3A_58, %add3A_57, %select_n3A_48 : vector<576x128xi1>, vector<576x128xf32>
    %jit3A_60 = arith.constant 4 : i32
    %broadcast_in_dim3A_61 = vector.broadcast %jit3A_60 : i32 to vector<576x128xi32>
    %select_n3A_62 = arith.select %lt3A_58, %broadcast_in_dim3A_61, %select_n3A_51 : vector<576x128xi1>, vector<576x128xi32>
    %slice3A_63 = vector.extract_strided_slice %dot_general3A_12 {offsets = [0, 640], sizes = [576, 128], strides = [1, 1]} : vector<576x1024xf32> to vector<576x128xf32>
    %add3A_64 = arith.addf %dot_general3A_15, %slice3A_63 : vector<576x128xf32>
    %slice3A_65 = vector.extract_strided_slice %reduce_sum3A_2 {offsets = [640], sizes = [128], strides = [1]} : vector<1024xf32> to vector<128xf32>
    %broadcast_in_dim3A_66 = vector.shape_cast %slice3A_65 : vector<128xf32> to vector<1x128xf32>
    %add3A_67 = vector.broadcast %broadcast_in_dim3A_66 : vector<1x128xf32> to vector<576x128xf32>
    %add3A_68 = arith.addf %add3A_64, %add3A_67 : vector<576x128xf32>
    %lt3A_69 = arith.cmpf olt, %add3A_68, %select_n3A_59 : vector<576x128xf32>
    %select_n3A_70 = arith.select %lt3A_69, %add3A_68, %select_n3A_59 : vector<576x128xi1>, vector<576x128xf32>
    %jit3A_71 = arith.constant 5 : i32
    %broadcast_in_dim3A_72 = vector.broadcast %jit3A_71 : i32 to vector<576x128xi32>
    %select_n3A_73 = arith.select %lt3A_69, %broadcast_in_dim3A_72, %select_n3A_62 : vector<576x128xi1>, vector<576x128xi32>
    %slice3A_74 = vector.extract_strided_slice %dot_general3A_12 {offsets = [0, 768], sizes = [576, 128], strides = [1, 1]} : vector<576x1024xf32> to vector<576x128xf32>
    %add3A_75 = arith.addf %dot_general3A_15, %slice3A_74 : vector<576x128xf32>
    %slice3A_76 = vector.extract_strided_slice %reduce_sum3A_2 {offsets = [768], sizes = [128], strides = [1]} : vector<1024xf32> to vector<128xf32>
    %broadcast_in_dim3A_77 = vector.shape_cast %slice3A_76 : vector<128xf32> to vector<1x128xf32>
    %add3A_78 = vector.broadcast %broadcast_in_dim3A_77 : vector<1x128xf32> to vector<576x128xf32>
    %add3A_79 = arith.addf %add3A_75, %add3A_78 : vector<576x128xf32>
    %lt3A_80 = arith.cmpf olt, %add3A_79, %select_n3A_70 : vector<576x128xf32>
    %select_n3A_81 = arith.select %lt3A_80, %add3A_79, %select_n3A_70 : vector<576x128xi1>, vector<576x128xf32>
    %jit3A_82 = arith.constant 6 : i32
    %broadcast_in_dim3A_83 = vector.broadcast %jit3A_82 : i32 to vector<576x128xi32>
    %select_n3A_84 = arith.select %lt3A_80, %broadcast_in_dim3A_83, %select_n3A_73 : vector<576x128xi1>, vector<576x128xi32>
    %slice3A_85 = vector.extract_strided_slice %dot_general3A_12 {offsets = [0, 896], sizes = [576, 128], strides = [1, 1]} : vector<576x1024xf32> to vector<576x128xf32>
    %add3A_86 = arith.addf %dot_general3A_15, %slice3A_85 : vector<576x128xf32>
    %slice3A_87 = vector.extract_strided_slice %reduce_sum3A_2 {offsets = [896], sizes = [128], strides = [1]} : vector<1024xf32> to vector<128xf32>
    %broadcast_in_dim3A_88 = vector.shape_cast %slice3A_87 : vector<128xf32> to vector<1x128xf32>
    %add3A_89 = vector.broadcast %broadcast_in_dim3A_88 : vector<1x128xf32> to vector<576x128xf32>
    %add3A_90 = arith.addf %add3A_86, %add3A_89 : vector<576x128xf32>
    %lt3A_91 = arith.cmpf olt, %add3A_90, %select_n3A_81 : vector<576x128xf32>
    %select_n3A_92 = arith.select %lt3A_91, %add3A_90, %select_n3A_81 : vector<576x128xi1>, vector<576x128xf32>
    %jit3A_93 = arith.constant 7 : i32
    %broadcast_in_dim3A_94 = vector.broadcast %jit3A_93 : i32 to vector<576x128xi32>
    %select_n3A_95 = arith.select %lt3A_91, %broadcast_in_dim3A_94, %select_n3A_84 : vector<576x128xi1>, vector<576x128xi32>
    %reduce_min3A = arith.constant dense<0x7F800000> : vector<576xf32>
    %reduce_min3A_96 = vector.multi_reduction <minimumf>, %select_n3A_92, %reduce_min3A [1] : vector<576x128xf32> to vector<576xf32>
    %broadcast_in_dim3A_97 = vector.shape_cast %reduce_min3A_96 : vector<576xf32> to vector<576x1xf32>
    %iota3A = tpu.iota {dimensions = array<i32: 1>} : vector<576x128xi32>
    %eq3A = vector.broadcast %broadcast_in_dim3A_97 : vector<576x1xf32> to vector<576x128xf32>
    %eq3A_98 = arith.cmpf oeq, %select_n3A_92, %eq3A : vector<576x128xf32>
    %mul3A_99 = arith.constant 128 : i32
    %mul3A_100 = vector.broadcast %mul3A_99 : i32 to vector<576x128xi32>
    %mul3A_101 = arith.muli %select_n3A_95, %mul3A_100 : vector<576x128xi32>
    %add3A_102 = arith.addi %mul3A_101, %iota3A : vector<576x128xi32>
    %jit3A_103 = arith.constant 1024 : i32
    %broadcast_in_dim3A_104 = vector.broadcast %jit3A_103 : i32 to vector<576x128xi32>
    %select_n3A_105 = arith.select %eq3A_98, %add3A_102, %broadcast_in_dim3A_104 : vector<576x128xi1>, vector<576x128xi32>
    %reduce_min3A_106 = arith.constant dense<2147483647> : vector<576xi32>
    %reduce_min3A_107 = vector.multi_reduction <minsi>, %select_n3A_105, %reduce_min3A_106 [1] : vector<576x128xi32> to vector<576xi32>
    %jit3A_108 = arith.constant 4 : i32
    %eq3A_109 = arith.constant 0 : i32
    %eq3A_110 = arith.cmpi eq, %jit3A_108, %eq3A_109 : i32
    %jit3A_111 = arith.constant 1 : i32
    %select_n3A_112 = arith.select %eq3A_110, %jit3A_111, %jit3A_108 : i32
    %rem3A = arith.remsi %arg0, %select_n3A_112 : i32
    %ne3A = arith.constant 0 : i32
    %ne3A_113 = arith.cmpi ne, %rem3A, %ne3A : i32
    %lt3A_114 = arith.constant 0 : i32
    %lt3A_115 = arith.cmpi slt, %rem3A, %lt3A_114 : i32
    %lt3A_116 = arith.constant 0 : i32
    %lt3A_117 = arith.cmpi slt, %select_n3A_112, %lt3A_116 : i32
    %ne3A_118 = arith.xori %lt3A_115, %lt3A_117 : i1
    %and3A = arith.andi %ne3A_118, %ne3A_113 : i1
    %add3A_119 = arith.addi %rem3A, %select_n3A_112 : i32
    %select_n3A_120 = arith.select %and3A, %add3A_119, %rem3A : i32
    %mul3A_121 = arith.constant 2 : i32
    %mul3A_122 = arith.muli %select_n3A_120, %mul3A_121 : i32
    %add3A_123 = arith.constant 0 : i32
    %add3A_124 = arith.addi %mul3A_122, %add3A_123 : i32
    %swap3A = arith.index_cast %add3A_124 : i32 to index
    %swap3A_125 = arith.constant 0 : index
    %swap3A_126 = vector.load %arg3[%swap3A, %swap3A_125] : memref<8x576xi32, #tpu.memory_space<vmem>>, vector<1x576xi32>
    %swap3A_127 = vector.shape_cast %swap3A_126 : vector<1x576xi32> to vector<576xi32>
    %swap3A_128 = vector.shape_cast %reduce_min3A_107 : vector<576xi32> to vector<1x576xi32>
    tpu.vector_store %arg3[%swap3A, %swap3A_125], %swap3A_128 {strides = array<i32>} : memref<8x576xi32, #tpu.memory_space<vmem>>, vector<1x576xi32>,
    %get3A_129 = arith.constant 1 : index
    %get3A_130 = arith.constant 0 : index
    %get3A_131 = arith.constant 0 : index
    %get3A_132 = vector.load %arg1[%get3A_129, %get3A_130, %get3A_131] : memref<2x576x64xf32, #tpu.memory_space<vmem>>, vector<1x576x64xf32>
    %get3A_133 = vector.shape_cast %get3A_132 : vector<1x576x64xf32> to vector<576x64xf32>
    %mul3A_134 = arith.constant -2.000000e+00 : f32
    %mul3A_135 = vector.broadcast %mul3A_134 : f32 to vector<576x64xf32>
    %mul3A_136 = arith.mulf %get3A_133, %mul3A_135 : vector<576x64xf32>
    %dot_general3A_137 = arith.constant dense<0.000000e+00> : vector<576x1024xf32>
    %dot_general3A_138 = tpu.matmul %mul3A_136, %get3A_1, %dot_general3A_137 {dimension_numbers = #tpu.dot_dimension_numbers<[1], [1], [0], [0], [0, 0, 1, 0], [], []>, transpose_lhs_hint = false} : vector<576x64xf32>, vector<1024x64xf32>, vector<576x1024xf32> -> vector<576x1024xf32>
    %mul3A_139 = arith.mulf %get3A_133, %get3A_133 : vector<576x64xf32>
    %dot_general3A_140 = arith.constant dense<0.000000e+00> : vector<576x128xf32>
    %dot_general3A_141 = tpu.matmul %mul3A_139, %broadcast_in_dim3A_3, %dot_general3A_140 {dimension_numbers = #tpu.dot_dimension_numbers<[1], [0], [0], [1], [0, 0, 1, 1], [], []>, transpose_lhs_hint = false} : vector<576x64xf32>, vector<64x128xf32>, vector<576x128xf32> -> vector<576x128xf32>
    %slice3A_142 = vector.extract_strided_slice %dot_general3A_138 {offsets = [0, 0], sizes = [576, 128], strides = [1, 1]} : vector<576x1024xf32> to vector<576x128xf32>
    %add3A_143 = arith.addf %dot_general3A_141, %slice3A_142 : vector<576x128xf32>
    %slice3A_144 = vector.extract_strided_slice %reduce_sum3A_2 {offsets = [0], sizes = [128], strides = [1]} : vector<1024xf32> to vector<128xf32>
    %broadcast_in_dim3A_145 = vector.shape_cast %slice3A_144 : vector<128xf32> to vector<1x128xf32>
    %add3A_146 = vector.broadcast %broadcast_in_dim3A_145 : vector<1x128xf32> to vector<576x128xf32>
    %add3A_147 = arith.addf %add3A_143, %add3A_146 : vector<576x128xf32>
    %broadcast_in_dim3A_148 = arith.constant 0 : i32
    %broadcast_in_dim3A_149 = vector.broadcast %broadcast_in_dim3A_148 : i32 to vector<576x128xi32>
    %slice3A_150 = vector.extract_strided_slice %dot_general3A_138 {offsets = [0, 128], sizes = [576, 128], strides = [1, 1]} : vector<576x1024xf32> to vector<576x128xf32>
    %add3A_151 = arith.addf %dot_general3A_141, %slice3A_150 : vector<576x128xf32>
    %slice3A_152 = vector.extract_strided_slice %reduce_sum3A_2 {offsets = [128], sizes = [128], strides = [1]} : vector<1024xf32> to vector<128xf32>
    %broadcast_in_dim3A_153 = vector.shape_cast %slice3A_152 : vector<128xf32> to vector<1x128xf32>
    %add3A_154 = vector.broadcast %broadcast_in_dim3A_153 : vector<1x128xf32> to vector<576x128xf32>
    %add3A_155 = arith.addf %add3A_151, %add3A_154 : vector<576x128xf32>
    %lt3A_156 = arith.cmpf olt, %add3A_155, %add3A_147 : vector<576x128xf32>
    %select_n3A_157 = arith.select %lt3A_156, %add3A_155, %add3A_147 : vector<576x128xi1>, vector<576x128xf32>
    %jit3A_158 = arith.constant 1 : i32
    %broadcast_in_dim3A_159 = vector.broadcast %jit3A_158 : i32 to vector<576x128xi32>
    %select_n3A_160 = arith.select %lt3A_156, %broadcast_in_dim3A_159, %broadcast_in_dim3A_149 : vector<576x128xi1>, vector<576x128xi32>
    %slice3A_161 = vector.extract_strided_slice %dot_general3A_138 {offsets = [0, 256], sizes = [576, 128], strides = [1, 1]} : vector<576x1024xf32> to vector<576x128xf32>
    %add3A_162 = arith.addf %dot_general3A_141, %slice3A_161 : vector<576x128xf32>
    %slice3A_163 = vector.extract_strided_slice %reduce_sum3A_2 {offsets = [256], sizes = [128], strides = [1]} : vector<1024xf32> to vector<128xf32>
    %broadcast_in_dim3A_164 = vector.shape_cast %slice3A_163 : vector<128xf32> to vector<1x128xf32>
    %add3A_165 = vector.broadcast %broadcast_in_dim3A_164 : vector<1x128xf32> to vector<576x128xf32>
    %add3A_166 = arith.addf %add3A_162, %add3A_165 : vector<576x128xf32>
    %lt3A_167 = arith.cmpf olt, %add3A_166, %select_n3A_157 : vector<576x128xf32>
    %select_n3A_168 = arith.select %lt3A_167, %add3A_166, %select_n3A_157 : vector<576x128xi1>, vector<576x128xf32>
    %jit3A_169 = arith.constant 2 : i32
    %broadcast_in_dim3A_170 = vector.broadcast %jit3A_169 : i32 to vector<576x128xi32>
    %select_n3A_171 = arith.select %lt3A_167, %broadcast_in_dim3A_170, %select_n3A_160 : vector<576x128xi1>, vector<576x128xi32>
    %slice3A_172 = vector.extract_strided_slice %dot_general3A_138 {offsets = [0, 384], sizes = [576, 128], strides = [1, 1]} : vector<576x1024xf32> to vector<576x128xf32>
    %add3A_173 = arith.addf %dot_general3A_141, %slice3A_172 : vector<576x128xf32>
    %slice3A_174 = vector.extract_strided_slice %reduce_sum3A_2 {offsets = [384], sizes = [128], strides = [1]} : vector<1024xf32> to vector<128xf32>
    %broadcast_in_dim3A_175 = vector.shape_cast %slice3A_174 : vector<128xf32> to vector<1x128xf32>
    %add3A_176 = vector.broadcast %broadcast_in_dim3A_175 : vector<1x128xf32> to vector<576x128xf32>
    %add3A_177 = arith.addf %add3A_173, %add3A_176 : vector<576x128xf32>
    %lt3A_178 = arith.cmpf olt, %add3A_177, %select_n3A_168 : vector<576x128xf32>
    %select_n3A_179 = arith.select %lt3A_178, %add3A_177, %select_n3A_168 : vector<576x128xi1>, vector<576x128xf32>
    %jit3A_180 = arith.constant 3 : i32
    %broadcast_in_dim3A_181 = vector.broadcast %jit3A_180 : i32 to vector<576x128xi32>
    %select_n3A_182 = arith.select %lt3A_178, %broadcast_in_dim3A_181, %select_n3A_171 : vector<576x128xi1>, vector<576x128xi32>
    %slice3A_183 = vector.extract_strided_slice %dot_general3A_138 {offsets = [0, 512], sizes = [576, 128], strides = [1, 1]} : vector<576x1024xf32> to vector<576x128xf32>
    %add3A_184 = arith.addf %dot_general3A_141, %slice3A_183 : vector<576x128xf32>
    %slice3A_185 = vector.extract_strided_slice %reduce_sum3A_2 {offsets = [512], sizes = [128], strides = [1]} : vector<1024xf32> to vector<128xf32>
    %broadcast_in_dim3A_186 = vector.shape_cast %slice3A_185 : vector<128xf32> to vector<1x128xf32>
    %add3A_187 = vector.broadcast %broadcast_in_dim3A_186 : vector<1x128xf32> to vector<576x128xf32>
    %add3A_188 = arith.addf %add3A_184, %add3A_187 : vector<576x128xf32>
    %lt3A_189 = arith.cmpf olt, %add3A_188, %select_n3A_179 : vector<576x128xf32>
    %select_n3A_190 = arith.select %lt3A_189, %add3A_188, %select_n3A_179 : vector<576x128xi1>, vector<576x128xf32>
    %jit3A_191 = arith.constant 4 : i32
    %broadcast_in_dim3A_192 = vector.broadcast %jit3A_191 : i32 to vector<576x128xi32>
    %select_n3A_193 = arith.select %lt3A_189, %broadcast_in_dim3A_192, %select_n3A_182 : vector<576x128xi1>, vector<576x128xi32>
    %slice3A_194 = vector.extract_strided_slice %dot_general3A_138 {offsets = [0, 640], sizes = [576, 128], strides = [1, 1]} : vector<576x1024xf32> to vector<576x128xf32>
    %add3A_195 = arith.addf %dot_general3A_141, %slice3A_194 : vector<576x128xf32>
    %slice3A_196 = vector.extract_strided_slice %reduce_sum3A_2 {offsets = [640], sizes = [128], strides = [1]} : vector<1024xf32> to vector<128xf32>
    %broadcast_in_dim3A_197 = vector.shape_cast %slice3A_196 : vector<128xf32> to vector<1x128xf32>
    %add3A_198 = vector.broadcast %broadcast_in_dim3A_197 : vector<1x128xf32> to vector<576x128xf32>
    %add3A_199 = arith.addf %add3A_195, %add3A_198 : vector<576x128xf32>
    %lt3A_200 = arith.cmpf olt, %add3A_199, %select_n3A_190 : vector<576x128xf32>
    %select_n3A_201 = arith.select %lt3A_200, %add3A_199, %select_n3A_190 : vector<576x128xi1>, vector<576x128xf32>
    %jit3A_202 = arith.constant 5 : i32
    %broadcast_in_dim3A_203 = vector.broadcast %jit3A_202 : i32 to vector<576x128xi32>
    %select_n3A_204 = arith.select %lt3A_200, %broadcast_in_dim3A_203, %select_n3A_193 : vector<576x128xi1>, vector<576x128xi32>
    %slice3A_205 = vector.extract_strided_slice %dot_general3A_138 {offsets = [0, 768], sizes = [576, 128], strides = [1, 1]} : vector<576x1024xf32> to vector<576x128xf32>
    %add3A_206 = arith.addf %dot_general3A_141, %slice3A_205 : vector<576x128xf32>
    %slice3A_207 = vector.extract_strided_slice %reduce_sum3A_2 {offsets = [768], sizes = [128], strides = [1]} : vector<1024xf32> to vector<128xf32>
    %broadcast_in_dim3A_208 = vector.shape_cast %slice3A_207 : vector<128xf32> to vector<1x128xf32>
    %add3A_209 = vector.broadcast %broadcast_in_dim3A_208 : vector<1x128xf32> to vector<576x128xf32>
    %add3A_210 = arith.addf %add3A_206, %add3A_209 : vector<576x128xf32>
    %lt3A_211 = arith.cmpf olt, %add3A_210, %select_n3A_201 : vector<576x128xf32>
    %select_n3A_212 = arith.select %lt3A_211, %add3A_210, %select_n3A_201 : vector<576x128xi1>, vector<576x128xf32>
    %jit3A_213 = arith.constant 6 : i32
    %broadcast_in_dim3A_214 = vector.broadcast %jit3A_213 : i32 to vector<576x128xi32>
    %select_n3A_215 = arith.select %lt3A_211, %broadcast_in_dim3A_214, %select_n3A_204 : vector<576x128xi1>, vector<576x128xi32>
    %slice3A_216 = vector.extract_strided_slice %dot_general3A_138 {offsets = [0, 896], sizes = [576, 128], strides = [1, 1]} : vector<576x1024xf32> to vector<576x128xf32>
    %add3A_217 = arith.addf %dot_general3A_141, %slice3A_216 : vector<576x128xf32>
    %slice3A_218 = vector.extract_strided_slice %reduce_sum3A_2 {offsets = [896], sizes = [128], strides = [1]} : vector<1024xf32> to vector<128xf32>
    %broadcast_in_dim3A_219 = vector.shape_cast %slice3A_218 : vector<128xf32> to vector<1x128xf32>
    %add3A_220 = vector.broadcast %broadcast_in_dim3A_219 : vector<1x128xf32> to vector<576x128xf32>
    %add3A_221 = arith.addf %add3A_217, %add3A_220 : vector<576x128xf32>
    %lt3A_222 = arith.cmpf olt, %add3A_221, %select_n3A_212 : vector<576x128xf32>
    %select_n3A_223 = arith.select %lt3A_222, %add3A_221, %select_n3A_212 : vector<576x128xi1>, vector<576x128xf32>
    %jit3A_224 = arith.constant 7 : i32
    %broadcast_in_dim3A_225 = vector.broadcast %jit3A_224 : i32 to vector<576x128xi32>
    %select_n3A_226 = arith.select %lt3A_222, %broadcast_in_dim3A_225, %select_n3A_215 : vector<576x128xi1>, vector<576x128xi32>
    %reduce_min3A_227 = arith.constant dense<0x7F800000> : vector<576xf32>
    %reduce_min3A_228 = vector.multi_reduction <minimumf>, %select_n3A_223, %reduce_min3A_227 [1] : vector<576x128xf32> to vector<576xf32>
    %broadcast_in_dim3A_229 = vector.shape_cast %reduce_min3A_228 : vector<576xf32> to vector<576x1xf32>
    %iota3A_230 = tpu.iota {dimensions = array<i32: 1>} : vector<576x128xi32>
    %eq3A_231 = vector.broadcast %broadcast_in_dim3A_229 : vector<576x1xf32> to vector<576x128xf32>
    %eq3A_232 = arith.cmpf oeq, %select_n3A_223, %eq3A_231 : vector<576x128xf32>
    %mul3A_233 = arith.constant 128 : i32
    %mul3A_234 = vector.broadcast %mul3A_233 : i32 to vector<576x128xi32>
    %mul3A_235 = arith.muli %select_n3A_226, %mul3A_234 : vector<576x128xi32>
    %add3A_236 = arith.addi %mul3A_235, %iota3A_230 : vector<576x128xi32>
    %jit3A_237 = arith.constant 1024 : i32
    %broadcast_in_dim3A_238 = vector.broadcast %jit3A_237 : i32 to vector<576x128xi32>
    %select_n3A_239 = arith.select %eq3A_232, %add3A_236, %broadcast_in_dim3A_238 : vector<576x128xi1>, vector<576x128xi32>
    %reduce_min3A_240 = arith.constant dense<2147483647> : vector<576xi32>
    %reduce_min3A_241 = vector.multi_reduction <minsi>, %select_n3A_239, %reduce_min3A_240 [1] : vector<576x128xi32> to vector<576xi32>
    %jit3A_242 = arith.constant 4 : i32
    %eq3A_243 = arith.constant 0 : i32
    %eq3A_244 = arith.cmpi eq, %jit3A_242, %eq3A_243 : i32
    %jit3A_245 = arith.constant 1 : i32
    %select_n3A_246 = arith.select %eq3A_244, %jit3A_245, %jit3A_242 : i32
    %rem3A_247 = arith.remsi %arg0, %select_n3A_246 : i32
    %ne3A_248 = arith.constant 0 : i32
    %ne3A_249 = arith.cmpi ne, %rem3A_247, %ne3A_248 : i32
    %lt3A_250 = arith.constant 0 : i32
    %lt3A_251 = arith.cmpi slt, %rem3A_247, %lt3A_250 : i32
    %lt3A_252 = arith.constant 0 : i32
    %lt3A_253 = arith.cmpi slt, %select_n3A_246, %lt3A_252 : i32
    %ne3A_254 = arith.xori %lt3A_251, %lt3A_253 : i1
    %and3A_255 = arith.andi %ne3A_254, %ne3A_249 : i1
    %add3A_256 = arith.addi %rem3A_247, %select_n3A_246 : i32
    %select_n3A_257 = arith.select %and3A_255, %add3A_256, %rem3A_247 : i32
    %mul3A_258 = arith.constant 2 : i32
    %mul3A_259 = arith.muli %select_n3A_257, %mul3A_258 : i32
    %add3A_260 = arith.constant 1 : i32
    %add3A_261 = arith.addi %mul3A_259, %add3A_260 : i32
    %swap3A_262 = arith.index_cast %add3A_261 : i32 to index
    %swap3A_263 = arith.constant 0 : index
    %swap3A_264 = vector.load %arg3[%swap3A_262, %swap3A_263] : memref<8x576xi32, #tpu.memory_space<vmem>>, vector<1x576xi32>
    %swap3A_265 = vector.shape_cast %swap3A_264 : vector<1x576xi32> to vector<576xi32>
    %swap3A_266 = vector.shape_cast %reduce_min3A_241 : vector<576xi32> to vector<1x576xi32>
    tpu.vector_store %arg3[%swap3A_262, %swap3A_263], %swap3A_266 {strides = array<i32>} : memref<8x576xi32, #tpu.memory_space<vmem>>, vector<1x576xi32>,
    %concatenate3A = tpu.concatenate %reduce_min3A_107, %reduce_min3A_241 in 0 : vector<576xi32>, vector<576xi32> -> vector<1152xi32>
    %mul3A_267 = arith.constant 1152 : i32
    %mul3A_268 = arith.muli %arg0, %mul3A_267 : i32
    %swap3A_269 = arith.index_cast %mul3A_268 : i32 to index
    %swap3A_270 = vector.load %arg4[%swap3A_269] : memref<36864xi32, #tpu.memory_space<vmem>>, vector<1152xi32>
    tpu.vector_store %arg4[%swap3A_269], %concatenate3A {strides = array<i32>} : memref<36864xi32, #tpu.memory_space<vmem>>, vector<1152xi32>,
    return
  }
  func.func @transform_0(%arg0: i32) -> (i32, i32, i32) {
    %c0_i32 = arith.constant 0 : i32
    %c0_i32_0 = arith.constant 0 : i32
    %c0_i32_1 = arith.constant 0 : i32
    return %arg0, %c0_i32, %c0_i32_0 : i32, i32, i32
  }
  func.func @transform_1(%arg0: i32) -> (i32, i32) {
    %c0_i32 = arith.constant 0 : i32
    %c0_i32_0 = arith.constant 0 : i32
    %c0_i32_1 = arith.constant 0 : i32
    return %c0_i32, %c0_i32_0 : i32, i32
  }
  func.func @transform_2(%arg0: i32) -> (i32, i32) {
    %jit3A = arith.constant 4 : i32
    %div3A = arith.divsi %arg0, %jit3A : i32
    %sign3A = arith.constant 0 : i32
    %sign3A_0 = arith.cmpi sgt, %arg0, %sign3A : i32
    %sign3A_1 = arith.extui %sign3A_0 : i1 to i32
    %sign3A_2 = arith.constant 0 : i32
    %sign3A_3 = arith.cmpi slt, %arg0, %sign3A_2 : i32
    %sign3A_4 = arith.extui %sign3A_3 : i1 to i32
    %sign3A_5 = arith.subi %sign3A_1, %sign3A_4 : i32
    %sign3A_6 = arith.constant 0 : i32
    %sign3A_7 = arith.cmpi sgt, %jit3A, %sign3A_6 : i32
    %sign3A_8 = arith.extui %sign3A_7 : i1 to i32
    %sign3A_9 = arith.constant 0 : i32
    %sign3A_10 = arith.cmpi slt, %jit3A, %sign3A_9 : i32
    %sign3A_11 = arith.extui %sign3A_10 : i1 to i32
    %sign3A_12 = arith.subi %sign3A_8, %sign3A_11 : i32
    %ne3A = arith.cmpi ne, %sign3A_5, %sign3A_12 : i32
    %rem3A = arith.remsi %arg0, %jit3A : i32
    %ne3A_13 = arith.constant 0 : i32
    %ne3A_14 = arith.cmpi ne, %rem3A, %ne3A_13 : i32
    %and3A = arith.andi %ne3A, %ne3A_14 : i1
    %sub3A = arith.constant 1 : i32
    %sub3A_15 = arith.subi %div3A, %sub3A : i32
    %select_n3A = arith.select %and3A, %sub3A_15, %div3A : i32
    %c0_i32 = arith.constant 0 : i32
    %c0_i32_16 = arith.constant 0 : i32
    return %select_n3A, %c0_i32 : i32, i32
  }
  func.func @transform_3(%arg0: i32) -> i32 {
    %c0_i32 = arith.constant 0 : i32
    %c0_i32_0 = arith.constant 0 : i32
    return %c0_i32 : i32
  }
}

module attributes {stable_mosaic.version = 14 : i64} {
  func.func @_st_block(%arg0: i32, %arg1: memref<2x576x64xf32, #tpu.memory_space<vmem>>, %arg2: memref<2x576x128xf32, #tpu.memory_space<vmem>>, %arg3: memref<2x576x64xf32, #tpu.memory_space<vmem>>, %arg4: memref<128xf32, #tpu.memory_space<vmem>>) attributes {dimension_semantics = [#tpu.dimension_semantics<arbitrary>], iteration_bounds = array<i64: 32>, scalar_prefetch = 0 : i64, scratch_operands = 0 : i64, tpu.core_type = #tpu.core_type<tc>, window_params = [{transform_indices = @transform_0, window_bounds = array<i64: 2, 576, 64>}, {transform_indices = @transform_1, window_bounds = array<i64: 2, 576, 128>}, {transform_indices = @transform_2, window_bounds = array<i64: 2, 576, 64>}, {transform_indices = @transform_3, window_bounds = array<i64: 128>}]} {
    %get3A = arith.constant 0 : index
    %get3A_0 = arith.constant 0 : index
    %get3A_1 = arith.constant 0 : index
    %get3A_2 = vector.load %arg1[%get3A, %get3A_0, %get3A_1] : memref<2x576x64xf32, #tpu.memory_space<vmem>>, vector<1x576x64xf32>
    %get3A_3 = vector.shape_cast %get3A_2 : vector<1x576x64xf32> to vector<576x64xf32>
    %get3A_4 = arith.constant 0 : index
    %get3A_5 = arith.constant 0 : index
    %get3A_6 = arith.constant 0 : index
    %get3A_7 = vector.load %arg2[%get3A_4, %get3A_5, %get3A_6] : memref<2x576x128xf32, #tpu.memory_space<vmem>>, vector<1x576x128xf32>
    %get3A_8 = vector.shape_cast %get3A_7 : vector<1x576x128xf32> to vector<576x128xf32>
    %slice3A = vector.extract_strided_slice %get3A_8 {offsets = [0, 0], sizes = [576, 64], strides = [1, 1]} : vector<576x128xf32> to vector<576x64xf32>
    %sub3A = arith.subf %slice3A, %get3A_3 : vector<576x64xf32>
    %add3A = arith.addf %get3A_3, %sub3A : vector<576x64xf32>
    %swap3A = arith.constant 0 : index
    %swap3A_9 = arith.constant 0 : index
    %swap3A_10 = arith.constant 0 : index
    %swap3A_11 = vector.load %arg3[%swap3A, %swap3A_9, %swap3A_10] : memref<2x576x64xf32, #tpu.memory_space<vmem>>, vector<1x576x64xf32>
    %swap3A_12 = vector.shape_cast %swap3A_11 : vector<1x576x64xf32> to vector<576x64xf32>
    %swap3A_13 = vector.shape_cast %add3A : vector<576x64xf32> to vector<1x576x64xf32>
    tpu.vector_store %arg3[%swap3A, %swap3A_9, %swap3A_10], %swap3A_13 {strides = array<i32>} : memref<2x576x64xf32, #tpu.memory_space<vmem>>, vector<1x576x64xf32>,
    %sub3A_14 = arith.subf %slice3A, %get3A_3 : vector<576x64xf32>
    %integer_pow3A = arith.mulf %sub3A_14, %sub3A_14 : vector<576x64xf32>
    %reduce_sum3A = vector.shape_cast %integer_pow3A : vector<576x64xf32> to vector<1x576x64xf32>
    %reduce_sum3A_15 = arith.constant dense<0.000000e+00> : vector<1xf32>
    %reduce_sum3A_16 = vector.multi_reduction <add>, %reduce_sum3A, %reduce_sum3A_15 [1, 2] : vector<1x576x64xf32> to vector<1xf32>
    %reduce_sum3A_17 = vector.shape_cast %reduce_sum3A_16 : vector<1xf32> to vector<1x1x1xf32>
    %reduce_sum3A_18 = vector.extract %reduce_sum3A_17[0, 0, 0] : f32 from vector<1x1x1xf32>
    %add3A_19 = arith.constant 0.000000e+00 : f32
    %add3A_20 = arith.addf %add3A_19, %reduce_sum3A_18 : f32
    %get3A_21 = arith.constant 1 : index
    %get3A_22 = arith.constant 0 : index
    %get3A_23 = arith.constant 0 : index
    %get3A_24 = vector.load %arg1[%get3A_21, %get3A_22, %get3A_23] : memref<2x576x64xf32, #tpu.memory_space<vmem>>, vector<1x576x64xf32>
    %get3A_25 = vector.shape_cast %get3A_24 : vector<1x576x64xf32> to vector<576x64xf32>
    %get3A_26 = arith.constant 1 : index
    %get3A_27 = arith.constant 0 : index
    %get3A_28 = arith.constant 0 : index
    %get3A_29 = vector.load %arg2[%get3A_26, %get3A_27, %get3A_28] : memref<2x576x128xf32, #tpu.memory_space<vmem>>, vector<1x576x128xf32>
    %get3A_30 = vector.shape_cast %get3A_29 : vector<1x576x128xf32> to vector<576x128xf32>
    %slice3A_31 = vector.extract_strided_slice %get3A_30 {offsets = [0, 0], sizes = [576, 64], strides = [1, 1]} : vector<576x128xf32> to vector<576x64xf32>
    %sub3A_32 = arith.subf %slice3A_31, %get3A_25 : vector<576x64xf32>
    %add3A_33 = arith.addf %get3A_25, %sub3A_32 : vector<576x64xf32>
    %swap3A_34 = arith.constant 1 : index
    %swap3A_35 = arith.constant 0 : index
    %swap3A_36 = arith.constant 0 : index
    %swap3A_37 = vector.load %arg3[%swap3A_34, %swap3A_35, %swap3A_36] : memref<2x576x64xf32, #tpu.memory_space<vmem>>, vector<1x576x64xf32>
    %swap3A_38 = vector.shape_cast %swap3A_37 : vector<1x576x64xf32> to vector<576x64xf32>
    %swap3A_39 = vector.shape_cast %add3A_33 : vector<576x64xf32> to vector<1x576x64xf32>
    tpu.vector_store %arg3[%swap3A_34, %swap3A_35, %swap3A_36], %swap3A_39 {strides = array<i32>} : memref<2x576x64xf32, #tpu.memory_space<vmem>>, vector<1x576x64xf32>,
    %sub3A_40 = arith.subf %slice3A_31, %get3A_25 : vector<576x64xf32>
    %integer_pow3A_41 = arith.mulf %sub3A_40, %sub3A_40 : vector<576x64xf32>
    %reduce_sum3A_42 = vector.shape_cast %integer_pow3A_41 : vector<576x64xf32> to vector<1x576x64xf32>
    %reduce_sum3A_43 = arith.constant dense<0.000000e+00> : vector<1xf32>
    %reduce_sum3A_44 = vector.multi_reduction <add>, %reduce_sum3A_42, %reduce_sum3A_43 [1, 2] : vector<1x576x64xf32> to vector<1xf32>
    %reduce_sum3A_45 = vector.shape_cast %reduce_sum3A_44 : vector<1xf32> to vector<1x1x1xf32>
    %reduce_sum3A_46 = vector.extract %reduce_sum3A_45[0, 0, 0] : f32 from vector<1x1x1xf32>
    %add3A_47 = arith.addf %add3A_20, %reduce_sum3A_46 : f32
    %broadcast_in_dim3A = vector.broadcast %add3A_47 : f32 to vector<128xf32>
    %swap3A_48 = arith.constant 0 : index
    %swap3A_49 = vector.load %arg4[%swap3A_48] : memref<128xf32, #tpu.memory_space<vmem>>, vector<128xf32>
    tpu.vector_store %arg4[%swap3A_48], %broadcast_in_dim3A {strides = array<i32>} : memref<128xf32, #tpu.memory_space<vmem>>, vector<128xf32>,
    return
  }
  func.func @transform_0(%arg0: i32) -> (i32, i32, i32) {
    %c0_i32 = arith.constant 0 : i32
    %c0_i32_0 = arith.constant 0 : i32
    %c0_i32_1 = arith.constant 0 : i32
    return %arg0, %c0_i32, %c0_i32_0 : i32, i32, i32
  }
  func.func @transform_1(%arg0: i32) -> (i32, i32, i32) {
    %c0_i32 = arith.constant 0 : i32
    %c0_i32_0 = arith.constant 0 : i32
    %c0_i32_1 = arith.constant 0 : i32
    return %arg0, %c0_i32, %c0_i32_0 : i32, i32, i32
  }
  func.func @transform_2(%arg0: i32) -> (i32, i32, i32) {
    %c0_i32 = arith.constant 0 : i32
    %c0_i32_0 = arith.constant 0 : i32
    %c0_i32_1 = arith.constant 0 : i32
    return %arg0, %c0_i32, %c0_i32_0 : i32, i32, i32
  }
  func.func @transform_3(%arg0: i32) -> i32 {
    %c0_i32 = arith.constant 0 : i32
    return %arg0 : i32
  }
}

</mosaic_0001>

<sc_bundles>
// kernel: kernel.5.cloned.1.call-start
scs
__scs_entry_jumppad:
0x0: {  	(pc) =	sbr.rel $0x88, $3  }
0x1: {  	(tag) =	ssettag $0x0;
	lr =	simm.s32 $0x1  }
0x2: {  	[smem:$0x3F9F] =	sst lr;
	_ =	strace $0xD0000000  }
0x3: {  	_ = 	snop  }
0x4: {  	_ = 	snop  }
0x5: {  	_ = 	snop  }
0x6: {  	_ = 	snop  }
0x7: {  	_ = 	snop  }
__scs_overlays_trampoline_lowered:
0x8: {  	[smem:$0x3FAE] =	sst s0  }
0x9: {  	[smem:$0x3FAF] =	sst s1  }
0xa: {  	[smem:$0x3FB0] =	sst s2  }
0xb: {  	[smem:$0x3FB1] =	sst s3  }
0xc: {  	[smem:$0x3FB2] =	sst s4  }
0xd: {  	[smem:$0x3FB3] =	sst s5  }
0xe: {  	[smem:$0x3FB4] =	sst s6  }
0xf: {  	[smem:$0x3FB5] =	sst s7  }
0x10: {  	[smem:$0x3FB6] =	sst s8  }
0x11: {  	[smem:$0x3FB7] =	sst s9;
	s0 =	simm.s32 @!p0 $0x0  }
0x12: {  	s1 =	sld [smem:$0x3F9D];
	s0 =	simm.s32 @p0 $0x1  }
0x13: {  	[smem:$0x3FB8] =	sst s0;
	s0 =	simm.s32 @!p1 $0x0  }
0x14: {  	s2 =	sld [smem:$0x3F9C];
	s0 =	simm.s32 @p1 $0x1  }
0x15: {  	[smem:$0x3FB9] =	sst s0;
	s0 =	simm.s32 @!p2 $0x0  }
0x16: {  	s3 =	sld [smem:$0x3FDB];
	s0 =	simm.s32 @p2 $0x1  }
0x17: {  	s4 =	simm.s32 $0x1BF5;
	[smem:$0x3FBB] =	sst s0  }
0x18: {  	s0 =	sld [smem:$0x3F9E];
	_ =	swait.ge [sflag:s4], $0x0  }
0x19: {  	s7 =	sld [smem:$0x3F9F]  }
0x1a: {  	s8 =	sadd.s32 $0xFFFFE003, lr  }
0x1b: {  	s9 =	sadd.s32 $0xFFFFFEF7, lr;
	s5 =	simm.s32 $0xFFFFFFFF;
	p2 =	slt.u32 s8, $0xFFFFF086  }
0x1c: {  	p1 =	slt.u32 s9, $0xF7A;
	s5 =	simm.s32 @!p2 $0x0  }
0x1d: {  	s5 =	simm.s32 @p1 $0x1;
	p0 =	seq.s32 s7, s2  }
0x1e: {  	s7 =	smul.u32 @!p0 $0xF7A, s2;
	p2 =	seq.s32 @!p0 s5, $0x0  }
0x1f: {  	s9 =	smul.u32 $0xF7A, s1;
	s8 =	simm.s32 @!p0 $0x1BF5;
	p2 =	por !p2, p0  }
0x20: {  	[sflag:s8] =	ssyncset.s32 @!p0 $0xFFFFF086;
	s6 =	sadd.s32 @!p0 s3, s7;
	s7 =	simm.s32 @!p0 $0x108  }
0x21: {  	s3 =	sadd.s32 s3, s9;
	s6 =	sadd.s32 @!p0 $0x88, s6;
	s7 =	simm.s32 @p2 $0x1082  }
0x22: {  	[simem:s7], [sflag:s8] =	dma.local @!p0 [hbm:s6], $0xF7A  }
0x23: {  	s9 =	sor.u32 $0xD0000000, s2;
	s6 =	simm.s32 $0x108;
	_ =	swait.ge @!p0 [sflag:s8], $0x0  }
0x24: {  	s3 =	sadd.s32 $0x88, s3;
	s6 =	simm.s32 @!p1 $0x1082;
	[sflag:s4] =	ssyncset.s32 $0xFFFFF086  }
0x25: {  	[simem:s6], [sflag:s4] =	dma.local [hbm:s3], $0xF7A  }
0x26: {  	[smem:$0x3F9F] =	sst s1;
	(tag) =	ssettag s2;
	_ =	strace s9  }
0x27: {  	s1 =	sld [smem:$0x3FAF]  }
0x28: {  	s2 =	sld [smem:$0x3FB0]  }
0x29: {  	s4 =	sld [smem:$0x3FB2]  }
0x2a: {  	p0 =	seq.s32 s5, $0x0;
	s5 =	sld [smem:$0x3FB3]  }
0x2b: {  	s6 =	sld [smem:$0x3FB4]  }
0x2c: {  	s7 =	sld [smem:$0x3FB5]  }
0x2d: {  	s3 =	simm.s32 $0x108;
	s8 =	sld [smem:$0x3FB6]  }
0x2e: {  	s3 =	simm.s32 @!p0 $0x1082;
	s9 =	sld [smem:$0x3FB7]  }
0x2f: {  	lr =	sadd.s32 s0, s3;
	s0 =	sld [smem:$0x3FAE]  }
0x30: {  	s3 =	sld [smem:$0x3FB1]  }
0x31: {  	[smem:$0x3FBA] =	sst s10  }
0x32: {  	s10 =	sld [smem:$0x3FB8];
	_ =	sdelay $0x3  }
0x33: {  	p0 =	seq.s32 s10, $0x1;
	s10 =	sld [smem:$0x3FBA];
	_ =	sdelay $0x3  }
0x34: {  	[smem:$0x3FBA] =	sst s10  }
0x35: {  	s10 =	sld [smem:$0x3FB9];
	_ =	sdelay $0x3  }
0x36: {  	p1 =	seq.s32 s10, $0x1;
	s10 =	sld [smem:$0x3FBA];
	_ =	sdelay $0x3  }
0x37: {  	[smem:$0x3FBA] =	sst s10  }
0x38: {  	s10 =	sld [smem:$0x3FBB]  }
0x39: {  	_ = 	snop;
	(pc) =	sbr.ind lr, $3  }
0x3a: {  	_ = 	snop  }
0x3b: {  	_ = 	snop  }
0x3c: {  	p2 =	seq.s32 s10, $0x1;
	s10 =	sld [smem:$0x3FBA]  }
0x3d: {  	_ =	shalt  }
0x3e: {  	_ =	shalt  }
0x3f: {  	_ =	shalt  }
0x40: {  	_ =	shalt  }
0x41: {  	_ =	shalt  }
0x42: {  	_ =	shalt  }
0x43: {  	_ =	shalt  }
0x44: {  	_ =	shalt  }
0x45: {  	_ =	shalt  }
0x46: {  	_ =	shalt  }
0x47: {  	_ =	shalt  }
0x48: {  	_ =	shalt  }
0x49: {  	_ =	shalt  }
0x4a: {  	_ =	shalt  }
0x4b: {  	_ =	shalt  }
0x4c: {  	_ =	shalt  }
0x4d: {  	_ =	shalt  }
0x4e: {  	_ =	shalt  }
0x4f: {  	_ =	shalt  }
0x50: {  	_ =	shalt  }
0x51: {  	_ =	shalt  }
0x52: {  	_ =	shalt  }
0x53: {  	_ =	shalt  }
0x54: {  	_ =	shalt  }
0x55: {  	_ =	shalt  }
0x56: {  	_ =	shalt  }
0x57: {  	_ =	shalt  }
0x58: {  	_ =	shalt  }
0x59: {  	_ =	shalt  }
0x5a: {  	_ =	shalt  }
0x5b: {  	_ =	shalt  }
0x5c: {  	_ =	shalt  }
0x5d: {  	_ =	shalt  }
0x5e: {  	_ =	shalt  }
0x5f: {  	_ =	shalt  }
0x60: {  	_ =	shalt  }
0x61: {  	_ =	shalt  }
0x62: {  	_ =	shalt  }
0x63: {  	_ =	shalt  }
0x64: {  	_ =	shalt  }
0x65: {  	_ =	shalt  }
0x66: {  	_ =	shalt  }
0x67: {  	_ =	shalt  }
0x68: {  	_ =	shalt  }
0x69: {  	_ =	shalt  }
0x6a: {  	_ =	shalt  }
0x6b: {  	_ =	shalt  }
0x6c: {  	_ =	shalt  }
0x6d: {  	_ =	shalt  }
0x6e: {  	_ =	shalt  }
0x6f: {  	_ =	shalt  }
0x70: {  	_ =	shalt  }
0x71: {  	_ =	shalt  }
0x72: {  	_ =	shalt  }
0x73: {  	_ =	shalt  }
0x74: {  	_ =	shalt  }
0x75: {  	_ =	shalt  }
0x76: {  	_ =	shalt  }
0x77: {  	_ =	shalt  }
0x78: {  	_ =	shalt  }
0x79: {  	_ =	shalt  }
0x7a: {  	_ =	shalt  }
0x7b: {  	_ =	shalt  }
0x7c: {  	_ =	shalt  }
0x7d: {  	_ =	shalt  }
0x7e: {  	_ =	shalt  }
0x7f: {  	_ =	shalt  }
0x80: {  	_ =	shalt  }
0x81: {  	_ =	shalt  }
0x82: {  	_ =	shalt  }
0x83: {  	_ =	shalt  }
0x84: {  	_ =	shalt  }
0x85: {  	_ =	shalt  }
0x86: {  	_ =	shalt  }
0x87: {  	_ =	shalt  }
.Lfunc_end0:
.L_simem_size_0:
called_computation_lowered:
.L_overlay_start_0:
0x88: {  	s2 =	sld [smem:$0x3FD9]  }
0x89: {  	s3 =	sld [smem:$0x3FFE];
	_ =	sdelay $0x1  }
0x8a: {  	s1 =	srdreg.scid  }
0x8b: {  	s0 =	sand.u32 $0x1, s1  }
0x8c: {  	s14 =	sshll.u32 s0, $0xA;
	s2 =	sadd.s32 s3, s2  }
0x8d: {  	s2 =	sadd.s32 s2, s14  }
0x8e: {  	[smem:$0x3FC6] =	sst s2  }
0x8f: {  	_ = 	snop  }
0x90: {  	s2 =	sld [smem:$0x3FD0];
	_ =	sdelay $0x2  }
0x91: {  	s15 =	simm.s32 $0xA;
	s4 =	simm.s32 $0x10  }
0x92: {  	[smem:s4], [sflag:s15] =	dma.local [hbm:s2], $0x1  }
0x93: {  	_ =	swait.eq [sflag:s15], $0x1  }
0x94: {  	[sflag:s15] =	ssyncset.done $0x0  }
0x95: {  	[sflag:s15] =	ssyncadd.s32 $0xFFFFFFFF  }
0x96: {  	s16 =	sld [smem:$0x10];
	(tm) =	ssettm $0x1  }
0x97: {  	s17 =	sld [smem:$0x3FFB];
	_ =	sdelay $0x3  }
0x98: {  	_ =	strace s17  }
0x99: {  	s3 =	sld [smem:$0x3FFC];
	_ =	sdelay $0x3  }
0x9a: {  	_ =	strace s3  }
0x9b: {  	s3 =	sld [smem:$0x3FFD];
	_ =	sdelay $0x3  }
0x9c: {  	_ =	strace s3  }
0x9d: {  	_ =	strace $0x8FFFFFFF  }
0x9e: {  	s18 =	sld [smem:$0x3FDB];
	_ =	sdelay $0x1  }
0x9f: {  	s19 =	simm.s32 $_scs_section_size  }
0xa0: {  	s5 =	simm.s32 $_size__tile_overlayer_lowered;
	s6 =	simm.s32 $_tile_overlayer_lowered  }
0xa1: {  	s22 =	simm.s32 $0x1BFF;
	s21 =	sshll.u32 s6, $0x1;
	s3 =	sadd.s32 s19, s18  }
0xa2: {  	s7 =	simm.s32 $0x0;
	s20 =	sshll.u32 s5, $0x1;
	s5 =	sadd.s32 s21, s3  }
0xa3: {  	[timem:s7], [sflag:s22] =	dma.local [hbm:s5], s20  }
0xa4: {  	_ =	swait.ge [sflag:s22], s20  }
0xa5: {  	s4 =	ssub.s32 $0x0, s20;
	[sflag:s22] =	ssyncset.done $0x0  }
0xa6: {  	[sflag:s22] =	ssyncadd.s32 s4;
	_ =	sdelay $0x1  }
0xa7: {  	s23 =	simm.s32 $0x1B8B  }
0xa8: {  	_ =	swait.ge [sflag:s23], $0x1  }
0xa9: {  	[sflag:s23] =	ssyncset.done $0x0  }
0xaa: {  	s25 =	simm.s32 $0x1B8E;
	s24 =	sld [smem:$0x3FFE];
	[sflag:s23] =	ssyncadd.s32 $0xFFFFFFFF  }
0xab: {  	s26 =	simm.s32 $execute0_lowered;
	[smem:$0x3FD2] =	sst s25  }
0xac: {  	s5 =	sshll.u32 s26, $0x1;
	_ =	strace $0x80000046;
	[dreg:$0x1] =	wrdreg $0xFFFFFFFF  }
0xad: {  	s28 =	simm.s32 $_size_execute0_lowered;
	s3 =	sadd.s32 s3, s5;
	[dreg:$0x0] =	wrdreg $0x0  }
0xae: {  	s5 =	sshll.u32 s28, $0x1;
	[dreg:$0x2] =	wrdreg s3  }
0xaf: {  	[dreg:$0x3] =	wrdreg s5  }
0xb0: {  	[dreg:$0x4] =	wrdreg $0xC0  }
0xb1: {  	_ =	task [dreg:s7], $0x5FFFF  }
0xb2: {  	[dreg:$0x1] =	wrdreg $0xFFFFFFFF  }
0xb3: {  	[dreg:$0x0] =	wrdreg $0x60  }
0xb4: {  	[dreg:$0x2] =	wrdreg s16  }
0xb5: {  	[dreg:$0x3] =	wrdreg s24  }
0xb6: {  	[dreg:$0x4] =	wrdreg $0x9  }
0xb7: {  	_ =	task.clear_ibuf [dreg:s7], $0x5FFFF;
	_ =	strace $0x90000046  }
0xb8: {  	s29 =	simm.s32 $0x9;
	_ =	strace $0x80000048  }
0xb9: {  	_ =	swait.ge [sflag:s29], $0x1  }
0xba: {  	[sflag:s29] =	ssyncadd.s32 $0xFFFFFFFF  }
0xbb: {  	_ =	strace $0x90000048  }
0xbc: {  	_ =	sfence  }
0xbd: {  	s30 =	sld [smem:$0x0];
	_ =	sdelay $0x2  }
0xbe: {  	s31 =	sshll.u32 s1, $0xD;
	s1 =	sshrl.u32 s1, $0x2  }
0xbf: {  	s3 =	sand.u32 $0x4000, s31;
	s1 =	sadd.s32 s1, s30  }
0xc0: {  	s0 =	sor.u32 s3, s0;
	s1 =	sshll.u32 s1, $0x11  }
0xc1: {  	s0 =	sor.u32 s1, s0  }
0xc2: {  	s0 =	sadd.s32 $0x8F2B, s0  }
0xc3: {  	[sflag:s0] =	ssyncadd.remote.s32 $0x1  }
0xc4: {  	_ =	sfence.sel $0xFFFF  }
0xc5: {  	[dreg:$0x0] =	wrdreg $0xFFFFFFFF;
	(pc) =	sbr.abs _section_cstart, $3  }
0xc6: {  	[dreg:$0x1] =	wrdreg $0xFFFFFFFF  }
0xc7: {  	_ =	task.clear_ibuf [dreg:s7], $0x2FFFF;
	_ =	strace $0x9FFFFFFF  }
0xc8: {  	(tm) =	ssettm $0x7FFFFFFF  }
0xc9: {  	_ =	shalt  }
tec
execute0_lowered:
.L_overlay_start_1:
0x0: {  	(tag) =	ssettag $0x1  }
0x1: {  	s1 =	srdreg.scid;
	s0 =	stileid.u32  }
0x2: {  	s25 =	sand.u32 $0x1, s1;
	s29 =	sshll.u32 s0, $0x1  }
0x3: {  	s2 =	rddreg [dreg:$0x0];
	s11 =	sor.u32 s25, s29  }
0x4: {  	s10 =	rddreg [dreg:$0x1];
	s4 =	smul.u32 $0x90, s11  }
0x5: {  	s3 =	simm.s32 $0x0;
	s1 =	rddreg [dreg:$0x2]  }
0x6: {  	[smem:$0x7FF] =	sst s3;
	s4 =	sadd.s32 s4, s10  }
0x7: {  	_ =	strace $0x80000047;
	s5 =	sadd.s32 $0x90800, s4;
	s4 =	simm.s32 $0x2  }
0x8: {  	[tilespmem:s3], [sflag:$0x2] =	stream.linear.gather [hbm4b:s5+s3], $0x480, $0x38;
	[tilespmem:$0x8480] =	vst v63  }
0x9: {  	_ =	swait.ge [sflag:s4], $0x480  }
0xa: {  	[sflag:s4] =	ssyncset.done $0x0  }
0xb: {  	s6 =	simm.s32 $0x80;
	s7 =	simm.s32 $0x480;
	[sflag:s4] =	ssyncadd.s32 $0xFFFFFB80  }
0xc: {  	[tilespmem:s7], [sflag:$0x1] =	stream.indirect.gather [hbm4b:s2+s6], $0x80, s3, s6, $0xb8;
	[tilespmem:$0x8480] =	vst v63  }
0xd: {  	s8 =	simm.s32 $0x4480;
	s9 =	simm.s32 $0x1  }
0xe: {  	[tilespmem:s8], [sflag:$0x1] =	stream.indirect.gather [hbm4b:s2+s6], $0x80, s6, s6, $0xb8;
	[tilespmem:$0x8480] =	vst v63  }
0xf: {  	s12 =	smul.u32 $0x4800, s11;
	_ =	swait.ge [sflag:s9], $0x4000  }
0x10: {  	s13 =	sadd.s32 $0x91A00, s10;
	[sflag:s9] =	ssyncset.done $0x0  }
0x11: {  	s10 =	sadd.s32 s13, s12;
	[sflag:s9] =	ssyncadd.s32 $0xFFFFC000  }
0x12: {  	[hbm4b:s10+s3] =	stream.linear.scatter [tilespmem:s7], [sflag:$0x2], $0x4000, $0x38;
	[tilespmem:$0x8480] =	vst v63  }
0x13: {  	_ =	swait.ge [sflag:s4], $0x4000  }
0x14: {  	[sflag:s4] =	ssyncset.done $0x0  }
0x15: {  	s30 =	smul.u32 $0x24000, s11;
	s11 =	simm.s32 $0x100;
	[sflag:s4] =	ssyncadd.s32 $0xFFFFC000  }
0x16: {  	[tilespmem:s7], [sflag:$0x1] =	stream.indirect.gather [hbm4b:s2+s6], $0x80, s11, s6, $0xb8;
	[tilespmem:$0x8480] =	vst v63  }
0x17: {  	s12 =	sshrl.u32 s30, $0x3;
	_ =	swait.ge [sflag:s9], $0x4000  }
0x18: {  	s26 =	sadd.s32 s13, s12;
	[sflag:s9] =	ssyncset.done $0x0  }
0x19: {  	s12 =	sadd.s32 $0x800, s26;
	[sflag:s9] =	ssyncadd.s32 $0xFFFFC000  }
0x1a: {  	[hbm4b:s12+s3] =	stream.linear.scatter [tilespmem:s8], [sflag:$0x2], $0x4000, $0x38;
	[tilespmem:$0x8480] =	vst v63  }
0x1b: {  	_ =	swait.ge [sflag:s4], $0x4000  }
0x1c: {  	[sflag:s4] =	ssyncset.done $0x0  }
0x1d: {  	s13 =	simm.s32 $0x180;
	[sflag:s4] =	ssyncadd.s32 $0xFFFFC000  }
0x1e: {  	[tilespmem:s8], [sflag:$0x1] =	stream.indirect.gather [hbm4b:s2+s6], $0x80, s13, s6, $0xb8;
	[tilespmem:$0x8480] =	vst v63  }
0x1f: {  	_ =	swait.ge [sflag:s9], $0x4000  }
0x20: {  	[sflag:s9] =	ssyncset.done $0x0  }
0x21: {  	s14 =	sadd.s32 $0x1000, s26;
	[sflag:s9] =	ssyncadd.s32 $0xFFFFC000  }
0x22: {  	[hbm4b:s14+s3] =	stream.linear.scatter [tilespmem:s7], [sflag:$0x2], $0x4000, $0x38;
	[tilespmem:$0x8480] =	vst v63  }
0x23: {  	_ =	swait.ge [sflag:s4], $0x4000  }
0x24: {  	[sflag:s4] =	ssyncset.done $0x0  }
0x25: {  	s15 =	simm.s32 $0x200;
	[sflag:s4] =	ssyncadd.s32 $0xFFFFC000  }
0x26: {  	[tilespmem:s7], [sflag:$0x1] =	stream.indirect.gather [hbm4b:s2+s6], $0x80, s15, s6, $0xb8;
	[tilespmem:$0x8480] =	vst v63  }
0x27: {  	_ =	swait.ge [sflag:s9], $0x4000  }
0x28: {  	[sflag:s9] =	ssyncset.done $0x0  }
0x29: {  	s16 =	sadd.s32 $0x1800, s26;
	[sflag:s9] =	ssyncadd.s32 $0xFFFFC000  }
0x2a: {  	[hbm4b:s16+s3] =	stream.linear.scatter [tilespmem:s8], [sflag:$0x2], $0x4000, $0x38;
	[tilespmem:$0x8480] =	vst v63  }
0x2b: {  	_ =	swait.ge [sflag:s4], $0x4000  }
0x2c: {  	[sflag:s4] =	ssyncset.done $0x0  }
0x2d: {  	s17 =	simm.s32 $0x280;
	[sflag:s4] =	ssyncadd.s32 $0xFFFFC000  }
0x2e: {  	[tilespmem:s8], [sflag:$0x1] =	stream.indirect.gather [hbm4b:s2+s6], $0x80, s17, s6, $0xb8;
	[tilespmem:$0x8480] =	vst v63  }
0x2f: {  	_ =	swait.ge [sflag:s9], $0x4000  }
0x30: {  	[sflag:s9] =	ssyncset.done $0x0  }
0x31: {  	s18 =	sadd.s32 $0x2000, s26;
	[sflag:s9] =	ssyncadd.s32 $0xFFFFC000  }
0x32: {  	[hbm4b:s18+s3] =	stream.linear.scatter [tilespmem:s7], [sflag:$0x2], $0x4000, $0x38;
	[tilespmem:$0x8480] =	vst v63  }
0x33: {  	_ =	swait.ge [sflag:s4], $0x4000  }
0x34: {  	[sflag:s4] =	ssyncset.done $0x0  }
0x35: {  	s19 =	simm.s32 $0x300;
	[sflag:s4] =	ssyncadd.s32 $0xFFFFC000  }
0x36: {  	[tilespmem:s7], [sflag:$0x1] =	stream.indirect.gather [hbm4b:s2+s6], $0x80, s19, s6, $0xb8;
	[tilespmem:$0x8480] =	vst v63  }
0x37: {  	_ =	swait.ge [sflag:s9], $0x4000  }
0x38: {  	[sflag:s9] =	ssyncset.done $0x0  }
0x39: {  	s20 =	sadd.s32 $0x2800, s26;
	[sflag:s9] =	ssyncadd.s32 $0xFFFFC000  }
0x3a: {  	[hbm4b:s20+s3] =	stream.linear.scatter [tilespmem:s8], [sflag:$0x2], $0x4000, $0x38;
	[tilespmem:$0x8480] =	vst v63  }
0x3b: {  	_ =	swait.ge [sflag:s4], $0x4000  }
0x3c: {  	[sflag:s4] =	ssyncset.done $0x0  }
0x3d: {  	s21 =	simm.s32 $0x380;
	[sflag:s4] =	ssyncadd.s32 $0xFFFFC000  }
0x3e: {  	[tilespmem:s8], [sflag:$0x1] =	stream.indirect.gather [hbm4b:s2+s6], $0x80, s21, s6, $0xb8;
	[tilespmem:$0x8480] =	vst v63  }
0x3f: {  	_ =	swait.ge [sflag:s9], $0x4000  }
0x40: {  	[sflag:s9] =	ssyncset.done $0x0  }
0x41: {  	s22 =	sadd.s32 $0x3000, s26;
	[sflag:s9] =	ssyncadd.s32 $0xFFFFC000  }
0x42: {  	[hbm4b:s22+s3] =	stream.linear.scatter [tilespmem:s7], [sflag:$0x2], $0x4000, $0x38;
	[tilespmem:$0x8480] =	vst v63  }
0x43: {  	_ =	swait.ge [sflag:s4], $0x4000  }
0x44: {  	[sflag:s4] =	ssyncset.done $0x0  }
0x45: {  	s23 =	simm.s32 $0x400;
	[sflag:s4] =	ssyncadd.s32 $0xFFFFC000  }
0x46: {  	[tilespmem:s7], [sflag:$0x1] =	stream.indirect.gather [hbm4b:s2+s6], $0x80, s23, s6, $0xb8;
	[tilespmem:$0x8480] =	vst v63  }
0x47: {  	_ =	swait.ge [sflag:s9], $0x4000  }
0x48: {  	[sflag:s9] =	ssyncset.done $0x0  }
0x49: {  	s25 =	ssub.s32 $0x2, s25;
	s24 =	sadd.s32 $0x3800, s26;
	[sflag:s9] =	ssyncadd.s32 $0xFFFFC000  }
0x4a: {  	[hbm4b:s24+s3] =	stream.linear.scatter [tilespmem:s8], [sflag:$0x2], $0x4000, $0x38;
	[tilespmem:$0x8480] =	vst v63  }
0x4b: {  	s28 =	sshrl.u32 s25, $0x1;
	_ =	swait.ge [sflag:s4], $0x4000  }
0x4c: {  	s28 =	ssub.s32 s25, s28;
	[sflag:s4] =	ssyncset.done $0x0  }
0x4d: {  	s31 =	smax.u32 s28, $0x1;
	[sflag:s4] =	ssyncadd.s32 $0xFFFFC000  }
0x4e: {  	p0 =	sne.s32 s31, $0x1;
	_ =	swait.ge [sflag:s9], $0x4000  }
.Ltmp0:
0x4f: {  	[sflag:s9] =	ssyncset.done $0x0;
	(pc) =	sbr.rel @!p0 .LBB2_2-.Ltmp0, $4  }
0x50: {  	s25 =	sadd.s32 $0x4000, s26;
	[sflag:s9] =	ssyncadd.s32 $0xFFFFC000  }
0x51: {  	[hbm4b:s25+s3] =	stream.linear.scatter [tilespmem:s7], [sflag:$0x2], $0x4000, $0x38;
	[tilespmem:$0x8480] =	vst v63  }
0x52: {  	_ =	swait.ge [sflag:s4], $0x4000  }
0x53: {  	s26 =	sadd.s32 $0xFFFFFFFF, s31;
	[sflag:s4] =	ssyncset.done $0x0  }
.LBB2_1:
0x54: {  	p0 =	sne.s32 s26, $0x1;
	s26 =	sadd.s32 $0xFFFFFFFF, s26;
	[sflag:s4] =	ssyncadd.s32 $0xFFFFC000  }
0x55: {  	[tilespmem:s3], [sflag:$0x2] =	stream.linear.gather [hbm4b:s5+s3], $0x480, $0x38;
	[tilespmem:$0x8480] =	vst v63  }
0x56: {  	_ =	swait.ge [sflag:s4], $0x480  }
0x57: {  	[sflag:s4] =	ssyncset.done $0x0  }
0x58: {  	[sflag:s4] =	ssyncadd.s32 $0xFFFFFB80  }
0x59: {  	[tilespmem:s7], [sflag:$0x1] =	stream.indirect.gather [hbm4b:s2+s6], $0x80, s3, s6, $0xb8;
	[tilespmem:$0x8480] =	vst v63  }
0x5a: {  	_ = 	snop  }
0x5b: {  	[tilespmem:s8], [sflag:$0x1] =	stream.indirect.gather [hbm4b:s2+s6], $0x80, s6, s6, $0xb8;
	[tilespmem:$0x8480] =	vst v63  }
0x5c: {  	_ =	swait.ge [sflag:s9], $0x4000  }
0x5d: {  	[sflag:s9] =	ssyncset.done $0x0  }
0x5e: {  	[sflag:s9] =	ssyncadd.s32 $0xFFFFC000  }
0x5f: {  	[hbm4b:s10+s3] =	stream.linear.scatter [tilespmem:s7], [sflag:$0x2], $0x4000, $0x38;
	[tilespmem:$0x8480] =	vst v63  }
0x60: {  	_ =	swait.ge [sflag:s4], $0x4000  }
0x61: {  	[sflag:s4] =	ssyncset.done $0x0  }
0x62: {  	[sflag:s4] =	ssyncadd.s32 $0xFFFFC000  }
0x63: {  	[tilespmem:s7], [sflag:$0x1] =	stream.indirect.gather [hbm4b:s2+s6], $0x80, s11, s6, $0xb8;
	[tilespmem:$0x8480] =	vst v63  }
0x64: {  	_ =	swait.ge [sflag:s9], $0x4000  }
0x65: {  	[sflag:s9] =	ssyncset.done $0x0  }
0x66: {  	[sflag:s9] =	ssyncadd.s32 $0xFFFFC000  }
0x67: {  	[hbm4b:s12+s3] =	stream.linear.scatter [tilespmem:s8], [sflag:$0x2], $0x4000, $0x38;
	[tilespmem:$0x8480] =	vst v63  }
0x68: {  	_ =	swait.ge [sflag:s4], $0x4000  }
0x69: {  	[sflag:s4] =	ssyncset.done $0x0  }
0x6a: {  	[sflag:s4] =	ssyncadd.s32 $0xFFFFC000  }
0x6b: {  	[tilespmem:s8], [sflag:$0x1] =	stream.indirect.gather [hbm4b:s2+s6], $0x80, s13, s6, $0xb8;
	[tilespmem:$0x8480] =	vst v63  }
0x6c: {  	_ =	swait.ge [sflag:s9], $0x4000  }
0x6d: {  	[sflag:s9] =	ssyncset.done $0x0  }
0x6e: {  	[sflag:s9] =	ssyncadd.s32 $0xFFFFC000  }
0x6f: {  	[hbm4b:s14+s3] =	stream.linear.scatter [tilespmem:s7], [sflag:$0x2], $0x4000, $0x38;
	[tilespmem:$0x8480] =	vst v63  }
0x70: {  	_ =	swait.ge [sflag:s4], $0x4000  }
0x71: {  	[sflag:s4] =	ssyncset.done $0x0  }
0x72: {  	[sflag:s4] =	ssyncadd.s32 $0xFFFFC000  }
0x73: {  	[tilespmem:s7], [sflag:$0x1] =	stream.indirect.gather [hbm4b:s2+s6], $0x80, s15, s6, $0xb8;
	[tilespmem:$0x8480] =	vst v63  }
0x74: {  	_ =	swait.ge [sflag:s9], $0x4000  }
0x75: {  	[sflag:s9] =	ssyncset.done $0x0  }
0x76: {  	[sflag:s9] =	ssyncadd.s32 $0xFFFFC000  }
0x77: {  	[hbm4b:s16+s3] =	stream.linear.scatter [tilespmem:s8], [sflag:$0x2], $0x4000, $0x38;
	[tilespmem:$0x8480] =	vst v63  }
0x78: {  	_ =	swait.ge [sflag:s4], $0x4000  }
0x79: {  	[sflag:s4] =	ssyncset.done $0x0  }
0x7a: {  	[sflag:s4] =	ssyncadd.s32 $0xFFFFC000  }
0x7b: {  	[tilespmem:s8], [sflag:$0x1] =	stream.indirect.gather [hbm4b:s2+s6], $0x80, s17, s6, $0xb8;
	[tilespmem:$0x8480] =	vst v63  }
0x7c: {  	_ =	swait.ge [sflag:s9], $0x4000  }
0x7d: {  	[sflag:s9] =	ssyncset.done $0x0  }
0x7e: {  	[sflag:s9] =	ssyncadd.s32 $0xFFFFC000  }
0x7f: {  	[hbm4b:s18+s3] =	stream.linear.scatter [tilespmem:s7], [sflag:$0x2], $0x4000, $0x38;
	[tilespmem:$0x8480] =	vst v63  }
0x80: {  	_ =	swait.ge [sflag:s4], $0x4000  }
0x81: {  	[sflag:s4] =	ssyncset.done $0x0  }
0x82: {  	[sflag:s4] =	ssyncadd.s32 $0xFFFFC000  }
0x83: {  	[tilespmem:s7], [sflag:$0x1] =	stream.indirect.gather [hbm4b:s2+s6], $0x80, s19, s6, $0xb8;
	[tilespmem:$0x8480] =	vst v63  }
0x84: {  	_ =	swait.ge [sflag:s9], $0x4000  }
0x85: {  	[sflag:s9] =	ssyncset.done $0x0  }
0x86: {  	[sflag:s9] =	ssyncadd.s32 $0xFFFFC000  }
0x87: {  	[hbm4b:s20+s3] =	stream.linear.scatter [tilespmem:s8], [sflag:$0x2], $0x4000, $0x38;
	[tilespmem:$0x8480] =	vst v63  }
0x88: {  	_ =	swait.ge [sflag:s4], $0x4000  }
0x89: {  	[sflag:s4] =	ssyncset.done $0x0  }
0x8a: {  	[sflag:s4] =	ssyncadd.s32 $0xFFFFC000  }
0x8b: {  	[tilespmem:s8], [sflag:$0x1] =	stream.indirect.gather [hbm4b:s2+s6], $0x80, s21, s6, $0xb8;
	[tilespmem:$0x8480] =	vst v63  }
0x8c: {  	_ =	swait.ge [sflag:s9], $0x4000  }
0x8d: {  	[sflag:s9] =	ssyncset.done $0x0  }
0x8e: {  	[sflag:s9] =	ssyncadd.s32 $0xFFFFC000  }
0x8f: {  	[hbm4b:s22+s3] =	stream.linear.scatter [tilespmem:s7], [sflag:$0x2], $0x4000, $0x38;
	[tilespmem:$0x8480] =	vst v63  }
0x90: {  	_ =	swait.ge [sflag:s4], $0x4000  }
0x91: {  	[sflag:s4] =	ssyncset.done $0x0  }
0x92: {  	[sflag:s4] =	ssyncadd.s32 $0xFFFFC000  }
0x93: {  	[tilespmem:s7], [sflag:$0x1] =	stream.indirect.gather [hbm4b:s2+s6], $0x80, s23, s6, $0xb8;
	[tilespmem:$0x8480] =	vst v63  }
0x94: {  	_ =	swait.ge [sflag:s9], $0x4000  }
0x95: {  	[sflag:s9] =	ssyncset.done $0x0  }
0x96: {  	[sflag:s9] =	ssyncadd.s32 $0xFFFFC000  }
0x97: {  	[hbm4b:s24+s3] =	stream.linear.scatter [tilespmem:s8], [sflag:$0x2], $0x4000, $0x38;
	[tilespmem:$0x8480] =	vst v63  }
0x98: {  	_ =	swait.ge [sflag:s4], $0x4000  }
0x99: {  	[sflag:s4] =	ssyncset.done $0x0  }
0x9a: {  	[sflag:s4] =	ssyncadd.s32 $0xFFFFC000  }
0x9b: {  	_ =	swait.ge [sflag:s9], $0x4000  }
.Ltmp1:
0x9c: {  	[sflag:s9] =	ssyncset.done $0x0;
	(pc) =	sbr.rel @p0 .LBB2_1-.Ltmp1, $4  }
0x9d: {  	[sflag:s9] =	ssyncadd.s32 $0xFFFFC000  }
0x9e: {  	[hbm4b:s25+s3] =	stream.linear.scatter [tilespmem:s7], [sflag:$0x2], $0x4000, $0x38;
	[tilespmem:$0x8480] =	vst v63  }
0x9f: {  	_ =	swait.ge [sflag:s4], $0x4000  }
0xa0: {  	[sflag:s4] =	ssyncset.done $0x0  }
.LBB2_2:
0xa1: {  	[sflag:s4] =	ssyncadd.s32 $0xFFFFC000  }
0xa2: {  	_ =	sfence.sel $0x180000  }
0xa3: {  	[bflag:$0x0] =	sbarrier.arrive $0xFFFF  }
0xa4: {  	p0 =	sne.s32 s0, $0x0;
	_ =	strace $0x90000047  }
0xa5: {  	s0 =	sadd.s32 @!p0 $0x100000, s1;
	[bflag:$0x2] =	sbarrier.arrive $0xFFFF  }
0xa6: {  	[sflag:s0] =	ssyncadd.tile.s32 @!p0 $0x1;
	_ =	shalt  }
.Lfunc_end2:
_tile_overlayer_lowered:
.L_overlay_start_2:
0xa7: {  	(tag) =	ssettag $0x2  }
0xa8: {  	s0 =	rddreg [dreg:$0x0];
	s2 =	stileid.u32  }
0xa9: {  	s1 =	rddreg [dreg:$0x1];
	p0 =	sne.s32 s2, $0x0  }
0xaa: {  	s3 =	rddreg [dreg:$0x2];
	[bflag:$0x3] =	sbarrier.arrive $0xFFFF;
	s2 =	simm.s32 @!p0 $0x1C02  }
0xab: {  	[timem:s3], [sflag:s2] =	dma.local @!p0 [hbm:s0], s1  }
0xac: {  	s0 =	simm.s32 @!p0 $0x2  }
0xad: {  	_ =	swait.ge @!p0 [sflag:s0], s1  }
0xae: {  	s1 =	ssub.s32 @!p0 $0x0, s1;
	[sflag:s0] =	ssyncset.done @!p0 $0x0  }
0xaf: {  	[sflag:s0] =	ssyncadd.s32 @!p0 s1  }
0xb0: {  	[bflag:$0x3] =	sbarrier.arrive $0xFFFF  }
0xb1: {  	_ =	shalt  }

</sc_bundles>
